<compile_context>
chip_gen: v7x
topology: tpu7x:2x2x1
jax: 0.10.2.dev20260603
libtpu: 0.0.44.dev20260713+nightly
codegen_flags: <defaults>
</compile_context>

<pallas_src>
import functools

import jax
import jax.numpy as jnp
from jax import lax
from jax.experimental import pallas as pl
from jax.experimental.pallas import tpu as pltpu
from jax.experimental.pallas import tpu_sc as plsc

N_SRC = 100000
N_TGT = 10000
N_EDGE = 1600000
SUP = 512
GS = 256
NG = SUP // GS
NCH = N_EDGE // SUP
CPT = -(-NCH // 32)
STR = 632
BZ = 1664


def _embed_body(sf_ref, xn_ref, emb_ref, hw_ref, z_ref):
    w2 = jnp.dot(emb_ref[...], hw_ref[...], preferred_element_type=jnp.float32)
    wbig = jnp.concatenate(
        [jnp.pad(w2, ((0, 0), (16 * j, 112 - 16 * j))) for j in range(8)],
        axis=0)
    z = jnp.dot(sf_ref[...], wbig, preferred_element_type=jnp.float32)
    i0 = lax.broadcasted_iota(jnp.int32, (8, 128), 0)
    i1 = lax.broadcasted_iota(jnp.int32, (8, 128), 1)
    sel = (i1 // 16 == i0).astype(jnp.float32)
    xnp = jnp.dot(xn_ref[...], sel, preferred_element_type=jnp.float32)
    z_ref[...] = z / xnp


def _embed_call(source_feat, x_norm, embed, hgcn_weight):
    sf8 = source_feat.reshape(N_SRC // 8, 1024)
    xn8 = x_norm.reshape(N_SRC // 8, 8)
    grid = (-(-(N_SRC // 8) // BZ),)
    return pl.pallas_call(
        _embed_body,
        grid=grid,
        in_specs=[
            pl.BlockSpec((BZ, 1024), lambda i: (i, 0)),
            pl.BlockSpec((BZ, 8), lambda i: (i, 0)),
            pl.BlockSpec((128, 32), lambda i: (0, 0)),
            pl.BlockSpec((32, 16), lambda i: (0, 0)),
        ],
        out_specs=pl.BlockSpec((BZ, 128), lambda i: (i, 0)),
        out_shape=jax.ShapeDtypeStruct((N_SRC // 8, 128), jnp.float32),
    )(sf8, xn8, embed, hgcn_weight)


def _sc_body(z_hbm, ei_hbm, zer_hbm, out_hbm,
             sbuf, tbuf, rows, acc, isem, gsem, asem):
    c = lax.axis_index("c")
    s = lax.axis_index("s")

    zb = jnp.minimum(s * STR, N_TGT - STR)
    pltpu.sync_copy(zer_hbm.at[pl.ds(zb, STR), :], acc.at[pl.ds(zb, STR), :])
    plsc.subcore_barrier()

    w = c * 16 + s
    k0 = w * CPT
    k1 = jnp.minimum(k0 + CPT, NCH)
    nit = jnp.maximum(k1 - k0, 0)

    def start_idx(k, b):
        pltpu.async_copy(ei_hbm.at[0, k], sbuf.at[b], isem)
        pltpu.async_copy(ei_hbm.at[1, k], tbuf.at[b], isem)

    def wait_idx(b):
        pltpu.make_async_copy(ei_hbm.at[0, 0], sbuf.at[b], isem).wait()
        pltpu.make_async_copy(ei_hbm.at[1, 0], tbuf.at[b], isem).wait()

    def fire_gathers(b):
        for j in range(NG):
            pltpu.async_copy(z_hbm.at[sbuf.at[b, j]],
                             rows.at[b, pl.ds(j * GS, GS), :], gsem)

    def wait_gathers(b):
        for j in range(NG):
            pltpu.make_async_copy(z_hbm.at[sbuf.at[b, j]],
                                  rows.at[b, pl.ds(j * GS, GS), :],
                                  gsem).wait()

    def fire_adds(b):
        for j in range(NG):
            pltpu.async_copy(rows.at[b, pl.ds(j * GS, GS), :],
                             acc.at[tbuf.at[b, j]], asem, add=True)

    def wait_adds(b):
        for j in range(NG):
            pltpu.make_async_copy(rows.at[b, pl.ds(j * GS, GS), :],
                                  acc.at[tbuf.at[b, j]], asem).wait()

    @pl.when(nit > 0)
    def _prime():
        start_idx(k0, 0)

    @pl.loop(0, nit)
    def _chunk(i):
        b = lax.rem(i, 3)

        @pl.when(i > 1)
        def _():
            wait_adds(lax.rem(i - 2, 3))

        wait_idx(b)
        fire_gathers(b)

        @pl.when(i + 1 < nit)
        def _():
            start_idx(k0 + i + 1, lax.rem(i + 1, 3))

        wait_gathers(b)
        fire_adds(b)



    @pl.when(nit > 1)
    def _drain2():
        wait_adds(lax.rem(nit - 2, 3))

    @pl.when(nit > 0)
    def _drain1():
        wait_adds(lax.rem(nit - 1, 3))

    plsc.subcore_barrier()
    pltpu.sync_copy(acc.at[pl.ds(zb, STR), :], out_hbm.at[c, pl.ds(zb, STR), :])


@functools.lru_cache(maxsize=1)
def _sc_call():
    mesh = plsc.VectorSubcoreMesh(
        core_axis_name="c", subcore_axis_name="s", num_cores=2, num_subcores=16
    )
    return functools.partial(
        pl.kernel,
        out_type=jax.ShapeDtypeStruct((2, N_TGT, 16), jnp.float32),
        mesh=mesh,
        scratch_types=[
        pltpu.VMEM((3, NG, GS), jnp.int32),
        pltpu.VMEM((3, NG, GS), jnp.int32),
        pltpu.VMEM((3, SUP, 16), jnp.float32),
        pltpu.VMEM_SHARED((N_TGT, 16), jnp.float32),
        pltpu.SemaphoreType.DMA,
        pltpu.SemaphoreType.DMA,
        pltpu.SemaphoreType.DMA,
    ],
    compiler_params=pltpu.CompilerParams(use_tc_tiling_on_sc=False),
)(_sc_body)


def _fin_body(p_ref, rl_ref, out_ref):
    ssum = p_ref[0] + p_ref[1]
    rl = rl_ref[...]
    deg = (rl[:, 1:2] - rl[:, 0:1]).astype(jnp.float32)
    out_ref[...] = ssum / jnp.maximum(deg, 1.0)


def _fin_call(partials, range_list):
    return pl.pallas_call(
        _fin_body,
        out_shape=jax.ShapeDtypeStruct((N_TGT, 16), jnp.float32),
    )(partials, range_list)


def kernel(source_feat, edge_index, range_list, x_norm, embed, hgcn_weight):
    ei = edge_index.astype(jnp.int32).reshape(2, -1, NG, GS)
    z = _embed_call(source_feat, x_norm, embed, hgcn_weight)
    z = z.reshape(N_SRC, 16)
    zer = jnp.zeros((N_TGT, 16), jnp.float32)
    partials = _sc_call()(z, ei, zer)
    return _fin_call(partials, range_list.astype(jnp.int32))

# --- scband reference (transcript-rebuilt; emitter-appended) ---
"""Pipeline reference for scband-hier-encoder-65721589563554 (READ-ONLY COPY).

The authoritative reference and input builder live on the scoring server;
editing this copy changes nothing except your own understanding.
"""

import jax, jax.numpy as jnp
import numpy as np

N_SOURCE = 100000
N_TARGET = 10000
E = 1600000
SOURCE_DIM = 128
EMBED_DIM = 32
TARGET_DIM = 16


def setup_inputs(seed: int = 0) -> dict:
    key = jax.random.key(seed)
    ks = jax.random.split(key, 6)
    source_feat = jax.random.normal(ks[0], (N_SOURCE, SOURCE_DIM), dtype=jnp.float32)
    # edges: row 0 = source ids, row 1 = target ids sorted ascending (required by range_list semantics)
    src = jax.random.randint(ks[1], (E,), 0, N_SOURCE)
    tgt = jnp.sort(jax.random.randint(ks[2], (E,), 0, N_TARGET))
    edge_index = jnp.stack([src, tgt], axis=0)
    # range_list[i] = [start, end) slice of the sorted edge list belonging to target i
    counts = jnp.bincount(tgt, length=N_TARGET)
    ends = jnp.cumsum(counts)
    starts = ends - counts
    range_list = jnp.stack([starts, ends], axis=1)
    x_norm = jax.random.uniform(ks[3], (N_SOURCE,), minval=0.5, maxval=1.5, dtype=jnp.float32)
    # learned parameters
    embed = jax.random.normal(ks[4], (SOURCE_DIM, EMBED_DIM), dtype=jnp.float32)  # self.embed ~ normal_()
    hgcn_weight = jax.random.normal(ks[5], (EMBED_DIM, TARGET_DIM), dtype=jnp.float32) * (2.0 / EMBED_DIM)
    return {
        "source_feat": source_feat,
        "edge_index": edge_index,
        "range_list": range_list,
        "x_norm": x_norm,
        "embed": embed,
        "hgcn_weight": hgcn_weight,
    }


def reference(source_feat, edge_index, range_list, x_norm, embed, hgcn_weight):
    # x = source_feat @ self.embed
    x = jnp.matmul(source_feat, embed)
    # x = x / x_norm.view(-1, 1)
    x = x / x_norm[:, None]
    # MyHierarchyConv: gather source features per edge, mean-aggregate per target via range_list
    gathered = jnp.take(x, edge_index[0, :], axis=0)  # [E, EMBED_DIM]
    summed = jax.ops.segment_sum(gathered, edge_index[1, :], num_segments=N_TARGET)
    deg = (range_list[:, 1] - range_list[:, 0]).astype(x.dtype)
    out = summed / jnp.maximum(deg, 1.0)[:, None]  # mean over each target's edge range
    out = jnp.matmul(out, hgcn_weight)
    return out

if __name__ == "__main__":
    import jax
    _d = setup_inputs()
    print(jax.jit(kernel)(*tuple(_d.values())))

</pallas_src>

<mosaic_0001>
#map = affine_map<(d0, d1) -> (0, 0)>
#map1 = affine_map<(d0, d1) -> (0, 0, 0, 0)>
#map2 = affine_map<(d0, d1) -> (0, 0, 0)>
module attributes {stable_mosaic.version = 14 : i64} {
  func.func @_sc_body(%arg0: i32, %arg1: i32, %arg2: memref<100000x16xf32, #tpu.memory_space<hbm>>, %arg3: memref<2x3125x2x256xi32, #tpu.memory_space<hbm>>, %arg4: memref<10000x16xf32, #tpu.memory_space<hbm>>, %arg5: memref<2x10000x16xf32, #tpu.memory_space<hbm>>, %arg6: memref<3x2x256xi32, #tpu.memory_space<vmem>>, %arg7: memref<3x2x256xi32, #tpu.memory_space<vmem>>, %arg8: memref<3x512x16xf32, #tpu.memory_space<vmem>>, %arg9: memref<10000x16xf32, #tpu.memory_space<vmem_shared>>, %arg10: memref<!tpu.dma_semaphore, #tpu.memory_space<semaphore_mem>>, %arg11: memref<!tpu.dma_semaphore, #tpu.memory_space<semaphore_mem>>, %arg12: memref<!tpu.dma_semaphore, #tpu.memory_space<semaphore_mem>>) attributes {dimension_semantics = [#tpu.dimension_semantics<core_parallel>, #tpu.dimension_semantics<subcore_parallel>], iteration_bounds = array<i64: 2, 16>, scalar_prefetch = 0 : i64, scratch_operands = 7 : i64, tpu.core_type = #tpu.core_type<sc_vector_subcore>, window_params = [{transform_indices = #map}, {transform_indices = #map1}, {transform_indices = #map}, {transform_indices = #map2}]} {
    %mul3A = arith.constant 632 : i32
    %mul3A_0 = arith.muli %arg1, %mul3A : i32
    %min3A = arith.constant 9368 : i32
    %min3A_1 = arith.minsi %mul3A_0, %min3A : i32
    "tpu.region"() ({
      %run_scoped3A = tpu.sem_alloc : memref<!tpu.dma_semaphore, #tpu.memory_space<semaphore_mem>>
      %dma_start3A = arith.constant 0 : i32
      %dma_start3A_41 = tpu.memref_slice %arg9[%min3A_1, %dma_start3A] : memref<10000x16xf32, #tpu.memory_space<vmem_shared>> -> memref<632x16xf32, #tpu.memory_space<vmem_shared>>
      %dma_start3A_42 = arith.constant 0 : i32
      %dma_start3A_43 = tpu.memref_slice %arg4[%min3A_1, %dma_start3A_42] : memref<10000x16xf32, #tpu.memory_space<hbm>> -> memref<632x16xf32, #tpu.memory_space<hbm>>
      tpu.enqueue_dma source(%dma_start3A_43 : memref<632x16xf32, #tpu.memory_space<hbm>>) target(%dma_start3A_41 : memref<632x16xf32, #tpu.memory_space<vmem_shared>>) target_semaphore(%run_scoped3A : memref<!tpu.dma_semaphore, #tpu.memory_space<semaphore_mem>>)
      %dma_wait3A = arith.constant 0 : i32
      %dma_wait3A_44 = tpu.memref_slice %arg9[%min3A_1, %dma_wait3A] : memref<10000x16xf32, #tpu.memory_space<vmem_shared>> -> memref<632x16xf32, #tpu.memory_space<vmem_shared>>
      %dma_wait3A_45 = arith.constant 0 : i32
      %dma_wait3A_46 = tpu.memref_slice %arg4[%min3A_1, %dma_wait3A_45] : memref<10000x16xf32, #tpu.memory_space<hbm>> -> memref<632x16xf32, #tpu.memory_space<hbm>>
      tpu.wait_dma2 semaphore(%run_scoped3A : memref<!tpu.dma_semaphore, #tpu.memory_space<semaphore_mem>>) src(%dma_wait3A_46 : memref<632x16xf32, #tpu.memory_space<hbm>>) dst(%dma_wait3A_44 : memref<632x16xf32, #tpu.memory_space<vmem_shared>>)
      tpu.yield
    }) : () -> ()
    %barrier3A = arith.constant 0 : index
    tpu.barrier barrier_id(%barrier3A)
    %mul3A_2 = arith.constant 16 : i32
    %mul3A_3 = arith.muli %arg0, %mul3A_2 : i32
    %add3A = arith.addi %mul3A_3, %arg1 : i32
    %mul3A_4 = arith.constant 98 : i32
    %mul3A_5 = arith.muli %add3A, %mul3A_4 : i32
    %add3A_6 = arith.constant 98 : i32
    %add3A_7 = arith.addi %mul3A_5, %add3A_6 : i32
    %min3A_8 = arith.constant 3125 : i32
    %min3A_9 = arith.minsi %add3A_7, %min3A_8 : i32
    %sub3A = arith.subi %min3A_9, %mul3A_5 : i32
    %max3A = arith.constant 0 : i32
    %max3A_10 = arith.maxsi %sub3A, %max3A : i32
    %gt3A = arith.constant 0 : i32
    %gt3A_11 = arith.cmpi sgt, %max3A_10, %gt3A : i32
    %convert_element_type3A = arith.extui %gt3A_11 : i1 to i32
    %cond3A = arith.constant 0 : i32
    %cond3A_12 = arith.cmpi ne, %convert_element_type3A, %cond3A : i32
    scf.if %cond3A_12 {
      %dma_start3A = arith.constant 0 : i32
      %dma_start3A_41 = arith.constant 0 : i32
      %dma_start3A_42 = arith.constant 0 : i32
      %dma_start3A_43 = arith.constant 0 : i32
      %dma_start3A_44 = tpu.memref_slice %arg6[%dma_start3A_41, %dma_start3A_42, %dma_start3A_43] : memref<3x2x256xi32, #tpu.memory_space<vmem>> -> memref<1x2x256xi32, #tpu.memory_space<vmem>>
      %dma_start3A_45 = tpu.memref_squeeze %dma_start3A_44 : memref<1x2x256xi32, #tpu.memory_space<vmem>> -> memref<2x256xi32, #tpu.memory_space<vmem>>
      %dma_start3A_46 = arith.constant 0 : i32
      %dma_start3A_47 = arith.constant 0 : i32
      %dma_start3A_48 = tpu.memref_slice %arg3[%dma_start3A, %mul3A_5, %dma_start3A_46, %dma_start3A_47] : memref<2x3125x2x256xi32, #tpu.memory_space<hbm>> -> memref<1x1x2x256xi32, #tpu.memory_space<hbm>>
      %dma_start3A_49 = tpu.memref_squeeze %dma_start3A_48 : memref<1x1x2x256xi32, #tpu.memory_space<hbm>> -> memref<2x256xi32, #tpu.memory_space<hbm>>
      %dma_start3A_50 = arith.constant 0 : i32
      %dma_start3A_51 = arith.constant 0 : i32
      %dma_start3A_52 = tpu.memref_slice %arg6[%dma_start3A_41, %dma_start3A_50, %dma_start3A_51] : memref<3x2x256xi32, #tpu.memory_space<vmem>> -> memref<1x2x256xi32, #tpu.memory_space<vmem>>
      %dma_start3A_53 = tpu.memref_squeeze %dma_start3A_52 : memref<1x2x256xi32, #tpu.memory_space<vmem>> -> memref<2x256xi32, #tpu.memory_space<vmem>>
      %dma_start3A_54 = arith.constant 0 : i32
      %dma_start3A_55 = arith.constant 0 : i32
      %dma_start3A_56 = tpu.memref_slice %arg3[%dma_start3A, %mul3A_5, %dma_start3A_54, %dma_start3A_55] : memref<2x3125x2x256xi32, #tpu.memory_space<hbm>> -> memref<1x1x2x256xi32, #tpu.memory_space<hbm>>
      %dma_start3A_57 = tpu.memref_squeeze %dma_start3A_56 : memref<1x1x2x256xi32, #tpu.memory_space<hbm>> -> memref<2x256xi32, #tpu.memory_space<hbm>>
      tpu.enqueue_dma source(%dma_start3A_57 : memref<2x256xi32, #tpu.memory_space<hbm>>) target(%dma_start3A_53 : memref<2x256xi32, #tpu.memory_space<vmem>>) target_semaphore(%arg10 : memref<!tpu.dma_semaphore, #tpu.memory_space<semaphore_mem>>)
      %dma_start3A_58 = arith.constant 1 : i32
      %dma_start3A_59 = arith.constant 0 : i32
      %dma_start3A_60 = arith.constant 0 : i32
      %dma_start3A_61 = arith.constant 0 : i32
      %dma_start3A_62 = tpu.memref_slice %arg7[%dma_start3A_59, %dma_start3A_60, %dma_start3A_61] : memref<3x2x256xi32, #tpu.memory_space<vmem>> -> memref<1x2x256xi32, #tpu.memory_space<vmem>>
      %dma_start3A_63 = tpu.memref_squeeze %dma_start3A_62 : memref<1x2x256xi32, #tpu.memory_space<vmem>> -> memref<2x256xi32, #tpu.memory_space<vmem>>
      %dma_start3A_64 = arith.constant 0 : i32
      %dma_start3A_65 = arith.constant 0 : i32
      %dma_start3A_66 = tpu.memref_slice %arg3[%dma_start3A_58, %mul3A_5, %dma_start3A_64, %dma_start3A_65] : memref<2x3125x2x256xi32, #tpu.memory_space<hbm>> -> memref<1x1x2x256xi32, #tpu.memory_space<hbm>>
      %dma_start3A_67 = tpu.memref_squeeze %dma_start3A_66 : memref<1x1x2x256xi32, #tpu.memory_space<hbm>> -> memref<2x256xi32, #tpu.memory_space<hbm>>
      %dma_start3A_68 = arith.constant 0 : i32
      %dma_start3A_69 = arith.constant 0 : i32
      %dma_start3A_70 = tpu.memref_slice %arg7[%dma_start3A_59, %dma_start3A_68, %dma_start3A_69] : memref<3x2x256xi32, #tpu.memory_space<vmem>> -> memref<1x2x256xi32, #tpu.memory_space<vmem>>
      %dma_start3A_71 = tpu.memref_squeeze %dma_start3A_70 : memref<1x2x256xi32, #tpu.memory_space<vmem>> -> memref<2x256xi32, #tpu.memory_space<vmem>>
      %dma_start3A_72 = arith.constant 0 : i32
      %dma_start3A_73 = arith.constant 0 : i32
      %dma_start3A_74 = tpu.memref_slice %arg3[%dma_start3A_58, %mul3A_5, %dma_start3A_72, %dma_start3A_73] : memref<2x3125x2x256xi32, #tpu.memory_space<hbm>> -> memref<1x1x2x256xi32, #tpu.memory_space<hbm>>
      %dma_start3A_75 = tpu.memref_squeeze %dma_start3A_74 : memref<1x1x2x256xi32, #tpu.memory_space<hbm>> -> memref<2x256xi32, #tpu.memory_space<hbm>>
      tpu.enqueue_dma source(%dma_start3A_75 : memref<2x256xi32, #tpu.memory_space<hbm>>) target(%dma_start3A_71 : memref<2x256xi32, #tpu.memory_space<vmem>>) target_semaphore(%arg10 : memref<!tpu.dma_semaphore, #tpu.memory_space<semaphore_mem>>)
    } else {
    }
    %sub3A_13 = arith.constant 0 : i32
    %sub3A_14 = arith.subi %max3A_10, %sub3A_13 : i32
    %sub3A_15 = arith.constant 1 : i32
    %sub3A_16 = arith.constant 1 : i32
    %sub3A_17 = arith.subi %sub3A_15, %sub3A_16 : i32
    %add3A_18 = arith.addi %sub3A_14, %sub3A_17 : i32
    %div3A = arith.constant 1 : i32
    %div3A_19 = arith.divsi %add3A_18, %div3A : i32
    %while3A = arith.constant 1 : i32
    %while3A_20 = arith.constant 0 : i32
    %while3A_21 = arith.constant 0 : i32
    %while3A_22 = arith.subi %div3A_19, %while3A_21 : i32
    %while3A_23 = arith.addi %while3A_21, %while3A_22 : i32
    %while3A_24 = arith.constant 1 : i32
    %while3A_25 = arith.divsi %while3A_22, %while3A_24 : i32
    %while3A_26 = arith.muli %while3A_25, %while3A_24 : i32
    %while3A_27 = arith.addi %while3A_21, %while3A_26 : i32
    %while3A_28 = arith.constant 1 : i32
    scf.for %while3A_41 = %while3A_21 to %while3A_27 step %while3A_28  : i32 {
      %mul3A_42 = arith.muli %while3A_41, %while3A : i32
      %add3A_43 = arith.addi %while3A_20, %mul3A_42 : i32
      %rem3A = arith.constant 3 : i32
      %rem3A_44 = arith.remsi %add3A_43, %rem3A : i32
      %gt3A_45 = arith.constant 1 : i32
      %gt3A_46 = arith.cmpi sgt, %add3A_43, %gt3A_45 : i32
      %convert_element_type3A_47 = arith.extui %gt3A_46 : i1 to i32
      %cond3A_48 = arith.constant 0 : i32
      %cond3A_49 = arith.cmpi ne, %convert_element_type3A_47, %cond3A_48 : i32
      scf.if %cond3A_49 {
        %sub3A_155 = arith.constant 2 : i32
        %sub3A_156 = arith.subi %add3A_43, %sub3A_155 : i32
        %rem3A_157 = arith.constant 3 : i32
        %rem3A_158 = arith.remsi %sub3A_156, %rem3A_157 : i32
        %dma_wait3A_159 = arith.constant 0 : i32
        %dma_wait3A_160 = arith.constant 0 : i32
        %dma_wait3A_161 = arith.constant 0 : i32
        %dma_wait3A_162 = tpu.memref_slice %arg8[%rem3A_158, %dma_wait3A_160, %dma_wait3A_161] : memref<3x512x16xf32, #tpu.memory_space<vmem>> -> memref<1x256x16xf32, #tpu.memory_space<vmem>>
        %dma_wait3A_163 = tpu.memref_squeeze %dma_wait3A_162 : memref<1x256x16xf32, #tpu.memory_space<vmem>> -> memref<256x16xf32, #tpu.memory_space<vmem>>
        %dma_wait3A_164 = arith.constant 0 : i32
        %dma_wait3A_165 = tpu.memref_slice %arg7[%rem3A_158, %dma_wait3A_159, %dma_wait3A_164] : memref<3x2x256xi32, #tpu.memory_space<vmem>> -> memref<1x1x256xi32, #tpu.memory_space<vmem>>
        %dma_wait3A_166 = tpu.memref_squeeze %dma_wait3A_165 : memref<1x1x256xi32, #tpu.memory_space<vmem>> -> memref<256xi32, #tpu.memory_space<vmem>>
        %dma_wait3A_167 = arith.constant 0 : i32
        %dma_wait3A_168 = arith.constant 0 : i32
        %dma_wait3A_169 = tpu.memref_slice %arg9[%dma_wait3A_167, %dma_wait3A_168] : memref<10000x16xf32, #tpu.memory_space<vmem_shared>> -> memref<10000x16xf32, #tpu.memory_space<vmem_shared>>
        tpu.wait_indirect_dma semaphore(%arg12 : memref<!tpu.dma_semaphore, #tpu.memory_space<semaphore_mem>>) src(%dma_wait3A_163 : memref<256x16xf32, #tpu.memory_space<vmem>>) dst(%dma_wait3A_169 : memref<10000x16xf32, #tpu.memory_space<vmem_shared>>)
        %dma_wait3A_170 = arith.constant 1 : i32
        %dma_wait3A_171 = arith.constant 256 : i32
        %dma_wait3A_172 = arith.constant 0 : i32
        %dma_wait3A_173 = tpu.memref_slice %arg8[%rem3A_158, %dma_wait3A_171, %dma_wait3A_172] : memref<3x512x16xf32, #tpu.memory_space<vmem>> -> memref<1x256x16xf32, #tpu.memory_space<vmem>>
        %dma_wait3A_174 = tpu.memref_squeeze %dma_wait3A_173 : memref<1x256x16xf32, #tpu.memory_space<vmem>> -> memref<256x16xf32, #tpu.memory_space<vmem>>
        %dma_wait3A_175 = arith.constant 0 : i32
        %dma_wait3A_176 = tpu.memref_slice %arg7[%rem3A_158, %dma_wait3A_170, %dma_wait3A_175] : memref<3x2x256xi32, #tpu.memory_space<vmem>> -> memref<1x1x256xi32, #tpu.memory_space<vmem>>
        %dma_wait3A_177 = tpu.memref_squeeze %dma_wait3A_176 : memref<1x1x256xi32, #tpu.memory_space<vmem>> -> memref<256xi32, #tpu.memory_space<vmem>>
        %dma_wait3A_178 = arith.constant 0 : i32
        %dma_wait3A_179 = arith.constant 0 : i32
        %dma_wait3A_180 = tpu.memref_slice %arg9[%dma_wait3A_178, %dma_wait3A_179] : memref<10000x16xf32, #tpu.memory_space<vmem_shared>> -> memref<10000x16xf32, #tpu.memory_space<vmem_shared>>
        tpu.wait_indirect_dma semaphore(%arg12 : memref<!tpu.dma_semaphore, #tpu.memory_space<semaphore_mem>>) src(%dma_wait3A_174 : memref<256x16xf32, #tpu.memory_space<vmem>>) dst(%dma_wait3A_180 : memref<10000x16xf32, #tpu.memory_space<vmem_shared>>)
      } else {
      }
      %dma_wait3A = arith.constant 0 : i32
      %dma_wait3A_50 = arith.constant 0 : i32
      %dma_wait3A_51 = arith.constant 0 : i32
      %dma_wait3A_52 = arith.constant 0 : i32
      %dma_wait3A_53 = tpu.memref_slice %arg6[%rem3A_44, %dma_wait3A_51, %dma_wait3A_52] : memref<3x2x256xi32, #tpu.memory_space<vmem>> -> memref<1x2x256xi32, #tpu.memory_space<vmem>>
      %dma_wait3A_54 = tpu.memref_squeeze %dma_wait3A_53 : memref<1x2x256xi32, #tpu.memory_space<vmem>> -> memref<2x256xi32, #tpu.memory_space<vmem>>
      %dma_wait3A_55 = arith.constant 0 : i32
      %dma_wait3A_56 = arith.constant 0 : i32
      %dma_wait3A_57 = tpu.memref_slice %arg3[%dma_wait3A, %dma_wait3A_50, %dma_wait3A_55, %dma_wait3A_56] : memref<2x3125x2x256xi32, #tpu.memory_space<hbm>> -> memref<1x1x2x256xi32, #tpu.memory_space<hbm>>
      %dma_wait3A_58 = tpu.memref_squeeze %dma_wait3A_57 : memref<1x1x2x256xi32, #tpu.memory_space<hbm>> -> memref<2x256xi32, #tpu.memory_space<hbm>>
      %dma_wait3A_59 = arith.constant 0 : i32
      %dma_wait3A_60 = arith.constant 0 : i32
      %dma_wait3A_61 = tpu.memref_slice %arg6[%rem3A_44, %dma_wait3A_59, %dma_wait3A_60] : memref<3x2x256xi32, #tpu.memory_space<vmem>> -> memref<1x2x256xi32, #tpu.memory_space<vmem>>
      %dma_wait3A_62 = tpu.memref_squeeze %dma_wait3A_61 : memref<1x2x256xi32, #tpu.memory_space<vmem>> -> memref<2x256xi32, #tpu.memory_space<vmem>>
      %dma_wait3A_63 = arith.constant 0 : i32
      %dma_wait3A_64 = arith.constant 0 : i32
      %dma_wait3A_65 = tpu.memref_slice %arg3[%dma_wait3A, %dma_wait3A_50, %dma_wait3A_63, %dma_wait3A_64] : memref<2x3125x2x256xi32, #tpu.memory_space<hbm>> -> memref<1x1x2x256xi32, #tpu.memory_space<hbm>>
      %dma_wait3A_66 = tpu.memref_squeeze %dma_wait3A_65 : memref<1x1x2x256xi32, #tpu.memory_space<hbm>> -> memref<2x256xi32, #tpu.memory_space<hbm>>
      tpu.wait_dma2 semaphore(%arg10 : memref<!tpu.dma_semaphore, #tpu.memory_space<semaphore_mem>>) src(%dma_wait3A_66 : memref<2x256xi32, #tpu.memory_space<hbm>>) dst(%dma_wait3A_62 : memref<2x256xi32, #tpu.memory_space<vmem>>)
      %dma_wait3A_67 = arith.constant 1 : i32
      %dma_wait3A_68 = arith.constant 0 : i32
      %dma_wait3A_69 = arith.constant 0 : i32
      %dma_wait3A_70 = arith.constant 0 : i32
      %dma_wait3A_71 = tpu.memref_slice %arg7[%rem3A_44, %dma_wait3A_69, %dma_wait3A_70] : memref<3x2x256xi32, #tpu.memory_space<vmem>> -> memref<1x2x256xi32, #tpu.memory_space<vmem>>
      %dma_wait3A_72 = tpu.memref_squeeze %dma_wait3A_71 : memref<1x2x256xi32, #tpu.memory_space<vmem>> -> memref<2x256xi32, #tpu.memory_space<vmem>>
      %dma_wait3A_73 = arith.constant 0 : i32
      %dma_wait3A_74 = arith.constant 0 : i32
      %dma_wait3A_75 = tpu.memref_slice %arg3[%dma_wait3A_67, %dma_wait3A_68, %dma_wait3A_73, %dma_wait3A_74] : memref<2x3125x2x256xi32, #tpu.memory_space<hbm>> -> memref<1x1x2x256xi32, #tpu.memory_space<hbm>>
      %dma_wait3A_76 = tpu.memref_squeeze %dma_wait3A_75 : memref<1x1x2x256xi32, #tpu.memory_space<hbm>> -> memref<2x256xi32, #tpu.memory_space<hbm>>
      %dma_wait3A_77 = arith.constant 0 : i32
      %dma_wait3A_78 = arith.constant 0 : i32
      %dma_wait3A_79 = tpu.memref_slice %arg7[%rem3A_44, %dma_wait3A_77, %dma_wait3A_78] : memref<3x2x256xi32, #tpu.memory_space<vmem>> -> memref<1x2x256xi32, #tpu.memory_space<vmem>>
      %dma_wait3A_80 = tpu.memref_squeeze %dma_wait3A_79 : memref<1x2x256xi32, #tpu.memory_space<vmem>> -> memref<2x256xi32, #tpu.memory_space<vmem>>
      %dma_wait3A_81 = arith.constant 0 : i32
      %dma_wait3A_82 = arith.constant 0 : i32
      %dma_wait3A_83 = tpu.memref_slice %arg3[%dma_wait3A_67, %dma_wait3A_68, %dma_wait3A_81, %dma_wait3A_82] : memref<2x3125x2x256xi32, #tpu.memory_space<hbm>> -> memref<1x1x2x256xi32, #tpu.memory_space<hbm>>
      %dma_wait3A_84 = tpu.memref_squeeze %dma_wait3A_83 : memref<1x1x2x256xi32, #tpu.memory_space<hbm>> -> memref<2x256xi32, #tpu.memory_space<hbm>>
      tpu.wait_dma2 semaphore(%arg10 : memref<!tpu.dma_semaphore, #tpu.memory_space<semaphore_mem>>) src(%dma_wait3A_84 : memref<2x256xi32, #tpu.memory_space<hbm>>) dst(%dma_wait3A_80 : memref<2x256xi32, #tpu.memory_space<vmem>>)
      %dma_start3A = arith.constant 0 : i32
      %dma_start3A_85 = arith.constant 0 : i32
      %dma_start3A_86 = arith.constant 0 : i32
      %dma_start3A_87 = tpu.memref_slice %arg8[%rem3A_44, %dma_start3A_85, %dma_start3A_86] : memref<3x512x16xf32, #tpu.memory_space<vmem>> -> memref<1x256x16xf32, #tpu.memory_space<vmem>>
      %dma_start3A_88 = tpu.memref_squeeze %dma_start3A_87 : memref<1x256x16xf32, #tpu.memory_space<vmem>> -> memref<256x16xf32, #tpu.memory_space<vmem>>
      %dma_start3A_89 = arith.constant 0 : i32
      %dma_start3A_90 = tpu.memref_slice %arg6[%rem3A_44, %dma_start3A, %dma_start3A_89] : memref<3x2x256xi32, #tpu.memory_space<vmem>> -> memref<1x1x256xi32, #tpu.memory_space<vmem>>
      %dma_start3A_91 = tpu.memref_squeeze %dma_start3A_90 : memref<1x1x256xi32, #tpu.memory_space<vmem>> -> memref<256xi32, #tpu.memory_space<vmem>>
      %dma_start3A_92 = arith.constant 0 : i32
      %dma_start3A_93 = arith.constant 0 : i32
      %dma_start3A_94 = tpu.memref_slice %arg2[%dma_start3A_92, %dma_start3A_93] : memref<100000x16xf32, #tpu.memory_space<hbm>> -> memref<100000x16xf32, #tpu.memory_space<hbm>>
      tpu.enqueue_indirect_dma source(%dma_start3A_94 : memref<100000x16xf32, #tpu.memory_space<hbm>>) target(%dma_start3A_88 : memref<256x16xf32, #tpu.memory_space<vmem>>) offsets(%dma_start3A_91 : memref<256xi32, #tpu.memory_space<vmem>>) semaphore(%arg11 : memref<!tpu.dma_semaphore, #tpu.memory_space<semaphore_mem>>)
      %dma_start3A_95 = arith.constant 1 : i32
      %dma_start3A_96 = arith.constant 256 : i32
      %dma_start3A_97 = arith.constant 0 : i32
      %dma_start3A_98 = tpu.memref_slice %arg8[%rem3A_44, %dma_start3A_96, %dma_start3A_97] : memref<3x512x16xf32, #tpu.memory_space<vmem>> -> memref<1x256x16xf32, #tpu.memory_space<vmem>>
      %dma_start3A_99 = tpu.memref_squeeze %dma_start3A_98 : memref<1x256x16xf32, #tpu.memory_space<vmem>> -> memref<256x16xf32, #tpu.memory_space<vmem>>
      %dma_start3A_100 = arith.constant 0 : i32
      %dma_start3A_101 = tpu.memref_slice %arg6[%rem3A_44, %dma_start3A_95, %dma_start3A_100] : memref<3x2x256xi32, #tpu.memory_space<vmem>> -> memref<1x1x256xi32, #tpu.memory_space<vmem>>
      %dma_start3A_102 = tpu.memref_squeeze %dma_start3A_101 : memref<1x1x256xi32, #tpu.memory_space<vmem>> -> memref<256xi32, #tpu.memory_space<vmem>>
      %dma_start3A_103 = arith.constant 0 : i32
      %dma_start3A_104 = arith.constant 0 : i32
      %dma_start3A_105 = tpu.memref_slice %arg2[%dma_start3A_103, %dma_start3A_104] : memref<100000x16xf32, #tpu.memory_space<hbm>> -> memref<100000x16xf32, #tpu.memory_space<hbm>>
      tpu.enqueue_indirect_dma source(%dma_start3A_105 : memref<100000x16xf32, #tpu.memory_space<hbm>>) target(%dma_start3A_99 : memref<256x16xf32, #tpu.memory_space<vmem>>) offsets(%dma_start3A_102 : memref<256xi32, #tpu.memory_space<vmem>>) semaphore(%arg11 : memref<!tpu.dma_semaphore, #tpu.memory_space<semaphore_mem>>)
      %add3A_106 = arith.constant 1 : i32
      %add3A_107 = arith.addi %add3A_43, %add3A_106 : i32
      %lt3A = arith.cmpi slt, %add3A_107, %max3A_10 : i32
      %convert_element_type3A_108 = arith.extui %lt3A : i1 to i32
      %cond3A_109 = arith.constant 0 : i32
      %cond3A_110 = arith.cmpi ne, %convert_element_type3A_108, %cond3A_109 : i32
      scf.if %cond3A_110 {
        %add3A_155 = arith.addi %mul3A_5, %add3A_43 : i32
        %add3A_156 = arith.constant 1 : i32
        %add3A_157 = arith.addi %add3A_155, %add3A_156 : i32
        %add3A_158 = arith.constant 1 : i32
        %add3A_159 = arith.addi %add3A_43, %add3A_158 : i32
        %rem3A_160 = arith.constant 3 : i32
        %rem3A_161 = arith.remsi %add3A_159, %rem3A_160 : i32
        %dma_start3A_162 = arith.constant 0 : i32
        %dma_start3A_163 = arith.constant 0 : i32
        %dma_start3A_164 = arith.constant 0 : i32
        %dma_start3A_165 = tpu.memref_slice %arg6[%rem3A_161, %dma_start3A_163, %dma_start3A_164] : memref<3x2x256xi32, #tpu.memory_space<vmem>> -> memref<1x2x256xi32, #tpu.memory_space<vmem>>
        %dma_start3A_166 = tpu.memref_squeeze %dma_start3A_165 : memref<1x2x256xi32, #tpu.memory_space<vmem>> -> memref<2x256xi32, #tpu.memory_space<vmem>>
        %dma_start3A_167 = arith.constant 0 : i32
        %dma_start3A_168 = arith.constant 0 : i32
        %dma_start3A_169 = tpu.memref_slice %arg3[%dma_start3A_162, %add3A_157, %dma_start3A_167, %dma_start3A_168] : memref<2x3125x2x256xi32, #tpu.memory_space<hbm>> -> memref<1x1x2x256xi32, #tpu.memory_space<hbm>>
        %dma_start3A_170 = tpu.memref_squeeze %dma_start3A_169 : memref<1x1x2x256xi32, #tpu.memory_space<hbm>> -> memref<2x256xi32, #tpu.memory_space<hbm>>
        %dma_start3A_171 = arith.constant 0 : i32
        %dma_start3A_172 = arith.constant 0 : i32
        %dma_start3A_173 = tpu.memref_slice %arg6[%rem3A_161, %dma_start3A_171, %dma_start3A_172] : memref<3x2x256xi32, #tpu.memory_space<vmem>> -> memref<1x2x256xi32, #tpu.memory_space<vmem>>
        %dma_start3A_174 = tpu.memref_squeeze %dma_start3A_173 : memref<1x2x256xi32, #tpu.memory_space<vmem>> -> memref<2x256xi32, #tpu.memory_space<vmem>>
        %dma_start3A_175 = arith.constant 0 : i32
        %dma_start3A_176 = arith.constant 0 : i32
        %dma_start3A_177 = tpu.memref_slice %arg3[%dma_start3A_162, %add3A_157, %dma_start3A_175, %dma_start3A_176] : memref<2x3125x2x256xi32, #tpu.memory_space<hbm>> -> memref<1x1x2x256xi32, #tpu.memory_space<hbm>>
        %dma_start3A_178 = tpu.memref_squeeze %dma_start3A_177 : memref<1x1x2x256xi32, #tpu.memory_space<hbm>> -> memref<2x256xi32, #tpu.memory_space<hbm>>
        tpu.enqueue_dma source(%dma_start3A_178 : memref<2x256xi32, #tpu.memory_space<hbm>>) target(%dma_start3A_174 : memref<2x256xi32, #tpu.memory_space<vmem>>) target_semaphore(%arg10 : memref<!tpu.dma_semaphore, #tpu.memory_space<semaphore_mem>>)
        %dma_start3A_179 = arith.constant 1 : i32
        %dma_start3A_180 = arith.constant 0 : i32
        %dma_start3A_181 = arith.constant 0 : i32
        %dma_start3A_182 = tpu.memref_slice %arg7[%rem3A_161, %dma_start3A_180, %dma_start3A_181] : memref<3x2x256xi32, #tpu.memory_space<vmem>> -> memref<1x2x256xi32, #tpu.memory_space<vmem>>
        %dma_start3A_183 = tpu.memref_squeeze %dma_start3A_182 : memref<1x2x256xi32, #tpu.memory_space<vmem>> -> memref<2x256xi32, #tpu.memory_space<vmem>>
        %dma_start3A_184 = arith.constant 0 : i32
        %dma_start3A_185 = arith.constant 0 : i32
        %dma_start3A_186 = tpu.memref_slice %arg3[%dma_start3A_179, %add3A_157, %dma_start3A_184, %dma_start3A_185] : memref<2x3125x2x256xi32, #tpu.memory_space<hbm>> -> memref<1x1x2x256xi32, #tpu.memory_space<hbm>>
        %dma_start3A_187 = tpu.memref_squeeze %dma_start3A_186 : memref<1x1x2x256xi32, #tpu.memory_space<hbm>> -> memref<2x256xi32, #tpu.memory_space<hbm>>
        %dma_start3A_188 = arith.constant 0 : i32
        %dma_start3A_189 = arith.constant 0 : i32
        %dma_start3A_190 = tpu.memref_slice %arg7[%rem3A_161, %dma_start3A_188, %dma_start3A_189] : memref<3x2x256xi32, #tpu.memory_space<vmem>> -> memref<1x2x256xi32, #tpu.memory_space<vmem>>
        %dma_start3A_191 = tpu.memref_squeeze %dma_start3A_190 : memref<1x2x256xi32, #tpu.memory_space<vmem>> -> memref<2x256xi32, #tpu.memory_space<vmem>>
        %dma_start3A_192 = arith.constant 0 : i32
        %dma_start3A_193 = arith.constant 0 : i32
        %dma_start3A_194 = tpu.memref_slice %arg3[%dma_start3A_179, %add3A_157, %dma_start3A_192, %dma_start3A_193] : memref<2x3125x2x256xi32, #tpu.memory_space<hbm>> -> memref<1x1x2x256xi32, #tpu.memory_space<hbm>>
        %dma_start3A_195 = tpu.memref_squeeze %dma_start3A_194 : memref<1x1x2x256xi32, #tpu.memory_space<hbm>> -> memref<2x256xi32, #tpu.memory_space<hbm>>
        tpu.enqueue_dma source(%dma_start3A_195 : memref<2x256xi32, #tpu.memory_space<hbm>>) target(%dma_start3A_191 : memref<2x256xi32, #tpu.memory_space<vmem>>) target_semaphore(%arg10 : memref<!tpu.dma_semaphore, #tpu.memory_space<semaphore_mem>>)
      } else {
      }
      %dma_wait3A_111 = arith.constant 0 : i32
      %dma_wait3A_112 = arith.constant 0 : i32
      %dma_wait3A_113 = arith.constant 0 : i32
      %dma_wait3A_114 = tpu.memref_slice %arg8[%rem3A_44, %dma_wait3A_112, %dma_wait3A_113] : memref<3x512x16xf32, #tpu.memory_space<vmem>> -> memref<1x256x16xf32, #tpu.memory_space<vmem>>
      %dma_wait3A_115 = tpu.memref_squeeze %dma_wait3A_114 : memref<1x256x16xf32, #tpu.memory_space<vmem>> -> memref<256x16xf32, #tpu.memory_space<vmem>>
      %dma_wait3A_116 = arith.constant 0 : i32
      %dma_wait3A_117 = tpu.memref_slice %arg6[%rem3A_44, %dma_wait3A_111, %dma_wait3A_116] : memref<3x2x256xi32, #tpu.memory_space<vmem>> -> memref<1x1x256xi32, #tpu.memory_space<vmem>>
      %dma_wait3A_118 = tpu.memref_squeeze %dma_wait3A_117 : memref<1x1x256xi32, #tpu.memory_space<vmem>> -> memref<256xi32, #tpu.memory_space<vmem>>
      %dma_wait3A_119 = arith.constant 0 : i32
      %dma_wait3A_120 = arith.constant 0 : i32
      %dma_wait3A_121 = tpu.memref_slice %arg2[%dma_wait3A_119, %dma_wait3A_120] : memref<100000x16xf32, #tpu.memory_space<hbm>> -> memref<100000x16xf32, #tpu.memory_space<hbm>>
      tpu.wait_indirect_dma semaphore(%arg11 : memref<!tpu.dma_semaphore, #tpu.memory_space<semaphore_mem>>) src(%dma_wait3A_121 : memref<100000x16xf32, #tpu.memory_space<hbm>>) dst(%dma_wait3A_115 : memref<256x16xf32, #tpu.memory_space<vmem>>)
      %dma_wait3A_122 = arith.constant 1 : i32
      %dma_wait3A_123 = arith.constant 256 : i32
      %dma_wait3A_124 = arith.constant 0 : i32
      %dma_wait3A_125 = tpu.memref_slice %arg8[%rem3A_44, %dma_wait3A_123, %dma_wait3A_124] : memref<3x512x16xf32, #tpu.memory_space<vmem>> -> memref<1x256x16xf32, #tpu.memory_space<vmem>>
      %dma_wait3A_126 = tpu.memref_squeeze %dma_wait3A_125 : memref<1x256x16xf32, #tpu.memory_space<vmem>> -> memref<256x16xf32, #tpu.memory_space<vmem>>
      %dma_wait3A_127 = arith.constant 0 : i32
      %dma_wait3A_128 = tpu.memref_slice %arg6[%rem3A_44, %dma_wait3A_122, %dma_wait3A_127] : memref<3x2x256xi32, #tpu.memory_space<vmem>> -> memref<1x1x256xi32, #tpu.memory_space<vmem>>
      %dma_wait3A_129 = tpu.memref_squeeze %dma_wait3A_128 : memref<1x1x256xi32, #tpu.memory_space<vmem>> -> memref<256xi32, #tpu.memory_space<vmem>>
      %dma_wait3A_130 = arith.constant 0 : i32
      %dma_wait3A_131 = arith.constant 0 : i32
      %dma_wait3A_132 = tpu.memref_slice %arg2[%dma_wait3A_130, %dma_wait3A_131] : memref<100000x16xf32, #tpu.memory_space<hbm>> -> memref<100000x16xf32, #tpu.memory_space<hbm>>
      tpu.wait_indirect_dma semaphore(%arg11 : memref<!tpu.dma_semaphore, #tpu.memory_space<semaphore_mem>>) src(%dma_wait3A_132 : memref<100000x16xf32, #tpu.memory_space<hbm>>) dst(%dma_wait3A_126 : memref<256x16xf32, #tpu.memory_space<vmem>>)
      %dma_start3A_133 = arith.constant 0 : i32
      %dma_start3A_134 = arith.constant 0 : i32
      %dma_start3A_135 = arith.constant 0 : i32
      %dma_start3A_136 = tpu.memref_slice %arg8[%rem3A_44, %dma_start3A_134, %dma_start3A_135] : memref<3x512x16xf32, #tpu.memory_space<vmem>> -> memref<1x256x16xf32, #tpu.memory_space<vmem>>
      %dma_start3A_137 = tpu.memref_squeeze %dma_start3A_136 : memref<1x256x16xf32, #tpu.memory_space<vmem>> -> memref<256x16xf32, #tpu.memory_space<vmem>>
      %dma_start3A_138 = arith.constant 0 : i32
      %dma_start3A_139 = tpu.memref_slice %arg7[%rem3A_44, %dma_start3A_133, %dma_start3A_138] : memref<3x2x256xi32, #tpu.memory_space<vmem>> -> memref<1x1x256xi32, #tpu.memory_space<vmem>>
      %dma_start3A_140 = tpu.memref_squeeze %dma_start3A_139 : memref<1x1x256xi32, #tpu.memory_space<vmem>> -> memref<256xi32, #tpu.memory_space<vmem>>
      %dma_start3A_141 = arith.constant 0 : i32
      %dma_start3A_142 = arith.constant 0 : i32
      %dma_start3A_143 = tpu.memref_slice %arg9[%dma_start3A_141, %dma_start3A_142] : memref<10000x16xf32, #tpu.memory_space<vmem_shared>> -> memref<10000x16xf32, #tpu.memory_space<vmem_shared>>
      tpu.enqueue_indirect_dma source(%dma_start3A_137 : memref<256x16xf32, #tpu.memory_space<vmem>>) target(%dma_start3A_143 : memref<10000x16xf32, #tpu.memory_space<vmem_shared>>) offsets(%dma_start3A_140 : memref<256xi32, #tpu.memory_space<vmem>>) semaphore(%arg12 : memref<!tpu.dma_semaphore, #tpu.memory_space<semaphore_mem>>) {add = true}
      %dma_start3A_144 = arith.constant 1 : i32
      %dma_start3A_145 = arith.constant 256 : i32
      %dma_start3A_146 = arith.constant 0 : i32
      %dma_start3A_147 = tpu.memref_slice %arg8[%rem3A_44, %dma_start3A_145, %dma_start3A_146] : memref<3x512x16xf32, #tpu.memory_space<vmem>> -> memref<1x256x16xf32, #tpu.memory_space<vmem>>
      %dma_start3A_148 = tpu.memref_squeeze %dma_start3A_147 : memref<1x256x16xf32, #tpu.memory_space<vmem>> -> memref<256x16xf32, #tpu.memory_space<vmem>>
      %dma_start3A_149 = arith.constant 0 : i32
      %dma_start3A_150 = tpu.memref_slice %arg7[%rem3A_44, %dma_start3A_144, %dma_start3A_149] : memref<3x2x256xi32, #tpu.memory_space<vmem>> -> memref<1x1x256xi32, #tpu.memory_space<vmem>>
      %dma_start3A_151 = tpu.memref_squeeze %dma_start3A_150 : memref<1x1x256xi32, #tpu.memory_space<vmem>> -> memref<256xi32, #tpu.memory_space<vmem>>
      %dma_start3A_152 = arith.constant 0 : i32
      %dma_start3A_153 = arith.constant 0 : i32
      %dma_start3A_154 = tpu.memref_slice %arg9[%dma_start3A_152, %dma_start3A_153] : memref<10000x16xf32, #tpu.memory_space<vmem_shared>> -> memref<10000x16xf32, #tpu.memory_space<vmem_shared>>
      tpu.enqueue_indirect_dma source(%dma_start3A_148 : memref<256x16xf32, #tpu.memory_space<vmem>>) target(%dma_start3A_154 : memref<10000x16xf32, #tpu.memory_space<vmem_shared>>) offsets(%dma_start3A_151 : memref<256xi32, #tpu.memory_space<vmem>>) semaphore(%arg12 : memref<!tpu.dma_semaphore, #tpu.memory_space<semaphore_mem>>) {add = true}
    }
    %while3A_29 = arith.constant 1 : i32
    scf.for %while3A_41 = %while3A_27 to %while3A_23 step %while3A_29  : i32 {
      %mul3A_42 = arith.muli %while3A_41, %while3A : i32
      %add3A_43 = arith.addi %while3A_20, %mul3A_42 : i32
      %rem3A = arith.constant 3 : i32
      %rem3A_44 = arith.remsi %add3A_43, %rem3A : i32
      %gt3A_45 = arith.constant 1 : i32
      %gt3A_46 = arith.cmpi sgt, %add3A_43, %gt3A_45 : i32
      %convert_element_type3A_47 = arith.extui %gt3A_46 : i1 to i32
      %cond3A_48 = arith.constant 0 : i32
      %cond3A_49 = arith.cmpi ne, %convert_element_type3A_47, %cond3A_48 : i32
      scf.if %cond3A_49 {
        %sub3A_155 = arith.constant 2 : i32
        %sub3A_156 = arith.subi %add3A_43, %sub3A_155 : i32
        %rem3A_157 = arith.constant 3 : i32
        %rem3A_158 = arith.remsi %sub3A_156, %rem3A_157 : i32
        %dma_wait3A_159 = arith.constant 0 : i32
        %dma_wait3A_160 = arith.constant 0 : i32
        %dma_wait3A_161 = arith.constant 0 : i32
        %dma_wait3A_162 = tpu.memref_slice %arg8[%rem3A_158, %dma_wait3A_160, %dma_wait3A_161] : memref<3x512x16xf32, #tpu.memory_space<vmem>> -> memref<1x256x16xf32, #tpu.memory_space<vmem>>
        %dma_wait3A_163 = tpu.memref_squeeze %dma_wait3A_162 : memref<1x256x16xf32, #tpu.memory_space<vmem>> -> memref<256x16xf32, #tpu.memory_space<vmem>>
        %dma_wait3A_164 = arith.constant 0 : i32
        %dma_wait3A_165 = tpu.memref_slice %arg7[%rem3A_158, %dma_wait3A_159, %dma_wait3A_164] : memref<3x2x256xi32, #tpu.memory_space<vmem>> -> memref<1x1x256xi32, #tpu.memory_space<vmem>>
        %dma_wait3A_166 = tpu.memref_squeeze %dma_wait3A_165 : memref<1x1x256xi32, #tpu.memory_space<vmem>> -> memref<256xi32, #tpu.memory_space<vmem>>
        %dma_wait3A_167 = arith.constant 0 : i32
        %dma_wait3A_168 = arith.constant 0 : i32
        %dma_wait3A_169 = tpu.memref_slice %arg9[%dma_wait3A_167, %dma_wait3A_168] : memref<10000x16xf32, #tpu.memory_space<vmem_shared>> -> memref<10000x16xf32, #tpu.memory_space<vmem_shared>>
        tpu.wait_indirect_dma semaphore(%arg12 : memref<!tpu.dma_semaphore, #tpu.memory_space<semaphore_mem>>) src(%dma_wait3A_163 : memref<256x16xf32, #tpu.memory_space<vmem>>) dst(%dma_wait3A_169 : memref<10000x16xf32, #tpu.memory_space<vmem_shared>>)
        %dma_wait3A_170 = arith.constant 1 : i32
        %dma_wait3A_171 = arith.constant 256 : i32
        %dma_wait3A_172 = arith.constant 0 : i32
        %dma_wait3A_173 = tpu.memref_slice %arg8[%rem3A_158, %dma_wait3A_171, %dma_wait3A_172] : memref<3x512x16xf32, #tpu.memory_space<vmem>> -> memref<1x256x16xf32, #tpu.memory_space<vmem>>
        %dma_wait3A_174 = tpu.memref_squeeze %dma_wait3A_173 : memref<1x256x16xf32, #tpu.memory_space<vmem>> -> memref<256x16xf32, #tpu.memory_space<vmem>>
        %dma_wait3A_175 = arith.constant 0 : i32
        %dma_wait3A_176 = tpu.memref_slice %arg7[%rem3A_158, %dma_wait3A_170, %dma_wait3A_175] : memref<3x2x256xi32, #tpu.memory_space<vmem>> -> memref<1x1x256xi32, #tpu.memory_space<vmem>>
        %dma_wait3A_177 = tpu.memref_squeeze %dma_wait3A_176 : memref<1x1x256xi32, #tpu.memory_space<vmem>> -> memref<256xi32, #tpu.memory_space<vmem>>
        %dma_wait3A_178 = arith.constant 0 : i32
        %dma_wait3A_179 = arith.constant 0 : i32
        %dma_wait3A_180 = tpu.memref_slice %arg9[%dma_wait3A_178, %dma_wait3A_179] : memref<10000x16xf32, #tpu.memory_space<vmem_shared>> -> memref<10000x16xf32, #tpu.memory_space<vmem_shared>>
        tpu.wait_indirect_dma semaphore(%arg12 : memref<!tpu.dma_semaphore, #tpu.memory_space<semaphore_mem>>) src(%dma_wait3A_174 : memref<256x16xf32, #tpu.memory_space<vmem>>) dst(%dma_wait3A_180 : memref<10000x16xf32, #tpu.memory_space<vmem_shared>>)
      } else {
      }
      %dma_wait3A = arith.constant 0 : i32
      %dma_wait3A_50 = arith.constant 0 : i32
      %dma_wait3A_51 = arith.constant 0 : i32
      %dma_wait3A_52 = arith.constant 0 : i32
      %dma_wait3A_53 = tpu.memref_slice %arg6[%rem3A_44, %dma_wait3A_51, %dma_wait3A_52] : memref<3x2x256xi32, #tpu.memory_space<vmem>> -> memref<1x2x256xi32, #tpu.memory_space<vmem>>
      %dma_wait3A_54 = tpu.memref_squeeze %dma_wait3A_53 : memref<1x2x256xi32, #tpu.memory_space<vmem>> -> memref<2x256xi32, #tpu.memory_space<vmem>>
      %dma_wait3A_55 = arith.constant 0 : i32
      %dma_wait3A_56 = arith.constant 0 : i32
      %dma_wait3A_57 = tpu.memref_slice %arg3[%dma_wait3A, %dma_wait3A_50, %dma_wait3A_55, %dma_wait3A_56] : memref<2x3125x2x256xi32, #tpu.memory_space<hbm>> -> memref<1x1x2x256xi32, #tpu.memory_space<hbm>>
      %dma_wait3A_58 = tpu.memref_squeeze %dma_wait3A_57 : memref<1x1x2x256xi32, #tpu.memory_space<hbm>> -> memref<2x256xi32, #tpu.memory_space<hbm>>
      %dma_wait3A_59 = arith.constant 0 : i32
      %dma_wait3A_60 = arith.constant 0 : i32
      %dma_wait3A_61 = tpu.memref_slice %arg6[%rem3A_44, %dma_wait3A_59, %dma_wait3A_60] : memref<3x2x256xi32, #tpu.memory_space<vmem>> -> memref<1x2x256xi32, #tpu.memory_space<vmem>>
      %dma_wait3A_62 = tpu.memref_squeeze %dma_wait3A_61 : memref<1x2x256xi32, #tpu.memory_space<vmem>> -> memref<2x256xi32, #tpu.memory_space<vmem>>
      %dma_wait3A_63 = arith.constant 0 : i32
      %dma_wait3A_64 = arith.constant 0 : i32
      %dma_wait3A_65 = tpu.memref_slice %arg3[%dma_wait3A, %dma_wait3A_50, %dma_wait3A_63, %dma_wait3A_64] : memref<2x3125x2x256xi32, #tpu.memory_space<hbm>> -> memref<1x1x2x256xi32, #tpu.memory_space<hbm>>
      %dma_wait3A_66 = tpu.memref_squeeze %dma_wait3A_65 : memref<1x1x2x256xi32, #tpu.memory_space<hbm>> -> memref<2x256xi32, #tpu.memory_space<hbm>>
      tpu.wait_dma2 semaphore(%arg10 : memref<!tpu.dma_semaphore, #tpu.memory_space<semaphore_mem>>) src(%dma_wait3A_66 : memref<2x256xi32, #tpu.memory_space<hbm>>) dst(%dma_wait3A_62 : memref<2x256xi32, #tpu.memory_space<vmem>>)
      %dma_wait3A_67 = arith.constant 1 : i32
      %dma_wait3A_68 = arith.constant 0 : i32
      %dma_wait3A_69 = arith.constant 0 : i32
      %dma_wait3A_70 = arith.constant 0 : i32
      %dma_wait3A_71 = tpu.memref_slice %arg7[%rem3A_44, %dma_wait3A_69, %dma_wait3A_70] : memref<3x2x256xi32, #tpu.memory_space<vmem>> -> memref<1x2x256xi32, #tpu.memory_space<vmem>>
      %dma_wait3A_72 = tpu.memref_squeeze %dma_wait3A_71 : memref<1x2x256xi32, #tpu.memory_space<vmem>> -> memref<2x256xi32, #tpu.memory_space<vmem>>
      %dma_wait3A_73 = arith.constant 0 : i32
      %dma_wait3A_74 = arith.constant 0 : i32
      %dma_wait3A_75 = tpu.memref_slice %arg3[%dma_wait3A_67, %dma_wait3A_68, %dma_wait3A_73, %dma_wait3A_74] : memref<2x3125x2x256xi32, #tpu.memory_space<hbm>> -> memref<1x1x2x256xi32, #tpu.memory_space<hbm>>
      %dma_wait3A_76 = tpu.memref_squeeze %dma_wait3A_75 : memref<1x1x2x256xi32, #tpu.memory_space<hbm>> -> memref<2x256xi32, #tpu.memory_space<hbm>>
      %dma_wait3A_77 = arith.constant 0 : i32
      %dma_wait3A_78 = arith.constant 0 : i32
      %dma_wait3A_79 = tpu.memref_slice %arg7[%rem3A_44, %dma_wait3A_77, %dma_wait3A_78] : memref<3x2x256xi32, #tpu.memory_space<vmem>> -> memref<1x2x256xi32, #tpu.memory_space<vmem>>
      %dma_wait3A_80 = tpu.memref_squeeze %dma_wait3A_79 : memref<1x2x256xi32, #tpu.memory_space<vmem>> -> memref<2x256xi32, #tpu.memory_space<vmem>>
      %dma_wait3A_81 = arith.constant 0 : i32
      %dma_wait3A_82 = arith.constant 0 : i32
      %dma_wait3A_83 = tpu.memref_slice %arg3[%dma_wait3A_67, %dma_wait3A_68, %dma_wait3A_81, %dma_wait3A_82] : memref<2x3125x2x256xi32, #tpu.memory_space<hbm>> -> memref<1x1x2x256xi32, #tpu.memory_space<hbm>>
      %dma_wait3A_84 = tpu.memref_squeeze %dma_wait3A_83 : memref<1x1x2x256xi32, #tpu.memory_space<hbm>> -> memref<2x256xi32, #tpu.memory_space<hbm>>
      tpu.wait_dma2 semaphore(%arg10 : memref<!tpu.dma_semaphore, #tpu.memory_space<semaphore_mem>>) src(%dma_wait3A_84 : memref<2x256xi32, #tpu.memory_space<hbm>>) dst(%dma_wait3A_80 : memref<2x256xi32, #tpu.memory_space<vmem>>)
      %dma_start3A = arith.constant 0 : i32
      %dma_start3A_85 = arith.constant 0 : i32
      %dma_start3A_86 = arith.constant 0 : i32
      %dma_start3A_87 = tpu.memref_slice %arg8[%rem3A_44, %dma_start3A_85, %dma_start3A_86] : memref<3x512x16xf32, #tpu.memory_space<vmem>> -> memref<1x256x16xf32, #tpu.memory_space<vmem>>
      %dma_start3A_88 = tpu.memref_squeeze %dma_start3A_87 : memref<1x256x16xf32, #tpu.memory_space<vmem>> -> memref<256x16xf32, #tpu.memory_space<vmem>>
      %dma_start3A_89 = arith.constant 0 : i32
      %dma_start3A_90 = tpu.memref_slice %arg6[%rem3A_44, %dma_start3A, %dma_start3A_89] : memref<3x2x256xi32, #tpu.memory_space<vmem>> -> memref<1x1x256xi32, #tpu.memory_space<vmem>>
      %dma_start3A_91 = tpu.memref_squeeze %dma_start3A_90 : memref<1x1x256xi32, #tpu.memory_space<vmem>> -> memref<256xi32, #tpu.memory_space<vmem>>
      %dma_start3A_92 = arith.constant 0 : i32
      %dma_start3A_93 = arith.constant 0 : i32
      %dma_start3A_94 = tpu.memref_slice %arg2[%dma_start3A_92, %dma_start3A_93] : memref<100000x16xf32, #tpu.memory_space<hbm>> -> memref<100000x16xf32, #tpu.memory_space<hbm>>
      tpu.enqueue_indirect_dma source(%dma_start3A_94 : memref<100000x16xf32, #tpu.memory_space<hbm>>) target(%dma_start3A_88 : memref<256x16xf32, #tpu.memory_space<vmem>>) offsets(%dma_start3A_91 : memref<256xi32, #tpu.memory_space<vmem>>) semaphore(%arg11 : memref<!tpu.dma_semaphore, #tpu.memory_space<semaphore_mem>>)
      %dma_start3A_95 = arith.constant 1 : i32
      %dma_start3A_96 = arith.constant 256 : i32
      %dma_start3A_97 = arith.constant 0 : i32
      %dma_start3A_98 = tpu.memref_slice %arg8[%rem3A_44, %dma_start3A_96, %dma_start3A_97] : memref<3x512x16xf32, #tpu.memory_space<vmem>> -> memref<1x256x16xf32, #tpu.memory_space<vmem>>
      %dma_start3A_99 = tpu.memref_squeeze %dma_start3A_98 : memref<1x256x16xf32, #tpu.memory_space<vmem>> -> memref<256x16xf32, #tpu.memory_space<vmem>>
      %dma_start3A_100 = arith.constant 0 : i32
      %dma_start3A_101 = tpu.memref_slice %arg6[%rem3A_44, %dma_start3A_95, %dma_start3A_100] : memref<3x2x256xi32, #tpu.memory_space<vmem>> -> memref<1x1x256xi32, #tpu.memory_space<vmem>>
      %dma_start3A_102 = tpu.memref_squeeze %dma_start3A_101 : memref<1x1x256xi32, #tpu.memory_space<vmem>> -> memref<256xi32, #tpu.memory_space<vmem>>
      %dma_start3A_103 = arith.constant 0 : i32
      %dma_start3A_104 = arith.constant 0 : i32
      %dma_start3A_105 = tpu.memref_slice %arg2[%dma_start3A_103, %dma_start3A_104] : memref<100000x16xf32, #tpu.memory_space<hbm>> -> memref<100000x16xf32, #tpu.memory_space<hbm>>
      tpu.enqueue_indirect_dma source(%dma_start3A_105 : memref<100000x16xf32, #tpu.memory_space<hbm>>) target(%dma_start3A_99 : memref<256x16xf32, #tpu.memory_space<vmem>>) offsets(%dma_start3A_102 : memref<256xi32, #tpu.memory_space<vmem>>) semaphore(%arg11 : memref<!tpu.dma_semaphore, #tpu.memory_space<semaphore_mem>>)
      %add3A_106 = arith.constant 1 : i32
      %add3A_107 = arith.addi %add3A_43, %add3A_106 : i32
      %lt3A = arith.cmpi slt, %add3A_107, %max3A_10 : i32
      %convert_element_type3A_108 = arith.extui %lt3A : i1 to i32
      %cond3A_109 = arith.constant 0 : i32
      %cond3A_110 = arith.cmpi ne, %convert_element_type3A_108, %cond3A_109 : i32
      scf.if %cond3A_110 {
        %add3A_155 = arith.addi %mul3A_5, %add3A_43 : i32
        %add3A_156 = arith.constant 1 : i32
        %add3A_157 = arith.addi %add3A_155, %add3A_156 : i32
        %add3A_158 = arith.constant 1 : i32
        %add3A_159 = arith.addi %add3A_43, %add3A_158 : i32
        %rem3A_160 = arith.constant 3 : i32
        %rem3A_161 = arith.remsi %add3A_159, %rem3A_160 : i32
        %dma_start3A_162 = arith.constant 0 : i32
        %dma_start3A_163 = arith.constant 0 : i32
        %dma_start3A_164 = arith.constant 0 : i32
        %dma_start3A_165 = tpu.memref_slice %arg6[%rem3A_161, %dma_start3A_163, %dma_start3A_164] : memref<3x2x256xi32, #tpu.memory_space<vmem>> -> memref<1x2x256xi32, #tpu.memory_space<vmem>>
        %dma_start3A_166 = tpu.memref_squeeze %dma_start3A_165 : memref<1x2x256xi32, #tpu.memory_space<vmem>> -> memref<2x256xi32, #tpu.memory_space<vmem>>
        %dma_start3A_167 = arith.constant 0 : i32
        %dma_start3A_168 = arith.constant 0 : i32
        %dma_start3A_169 = tpu.memref_slice %arg3[%dma_start3A_162, %add3A_157, %dma_start3A_167, %dma_start3A_168] : memref<2x3125x2x256xi32, #tpu.memory_space<hbm>> -> memref<1x1x2x256xi32, #tpu.memory_space<hbm>>
        %dma_start3A_170 = tpu.memref_squeeze %dma_start3A_169 : memref<1x1x2x256xi32, #tpu.memory_space<hbm>> -> memref<2x256xi32, #tpu.memory_space<hbm>>
        %dma_start3A_171 = arith.constant 0 : i32
        %dma_start3A_172 = arith.constant 0 : i32
        %dma_start3A_173 = tpu.memref_slice %arg6[%rem3A_161, %dma_start3A_171, %dma_start3A_172] : memref<3x2x256xi32, #tpu.memory_space<vmem>> -> memref<1x2x256xi32, #tpu.memory_space<vmem>>
        %dma_start3A_174 = tpu.memref_squeeze %dma_start3A_173 : memref<1x2x256xi32, #tpu.memory_space<vmem>> -> memref<2x256xi32, #tpu.memory_space<vmem>>
        %dma_start3A_175 = arith.constant 0 : i32
        %dma_start3A_176 = arith.constant 0 : i32
        %dma_start3A_177 = tpu.memref_slice %arg3[%dma_start3A_162, %add3A_157, %dma_start3A_175, %dma_start3A_176] : memref<2x3125x2x256xi32, #tpu.memory_space<hbm>> -> memref<1x1x2x256xi32, #tpu.memory_space<hbm>>
        %dma_start3A_178 = tpu.memref_squeeze %dma_start3A_177 : memref<1x1x2x256xi32, #tpu.memory_space<hbm>> -> memref<2x256xi32, #tpu.memory_space<hbm>>
        tpu.enqueue_dma source(%dma_start3A_178 : memref<2x256xi32, #tpu.memory_space<hbm>>) target(%dma_start3A_174 : memref<2x256xi32, #tpu.memory_space<vmem>>) target_semaphore(%arg10 : memref<!tpu.dma_semaphore, #tpu.memory_space<semaphore_mem>>)
        %dma_start3A_179 = arith.constant 1 : i32
        %dma_start3A_180 = arith.constant 0 : i32
        %dma_start3A_181 = arith.constant 0 : i32
        %dma_start3A_182 = tpu.memref_slice %arg7[%rem3A_161, %dma_start3A_180, %dma_start3A_181] : memref<3x2x256xi32, #tpu.memory_space<vmem>> -> memref<1x2x256xi32, #tpu.memory_space<vmem>>
        %dma_start3A_183 = tpu.memref_squeeze %dma_start3A_182 : memref<1x2x256xi32, #tpu.memory_space<vmem>> -> memref<2x256xi32, #tpu.memory_space<vmem>>
        %dma_start3A_184 = arith.constant 0 : i32
        %dma_start3A_185 = arith.constant 0 : i32
        %dma_start3A_186 = tpu.memref_slice %arg3[%dma_start3A_179, %add3A_157, %dma_start3A_184, %dma_start3A_185] : memref<2x3125x2x256xi32, #tpu.memory_space<hbm>> -> memref<1x1x2x256xi32, #tpu.memory_space<hbm>>
        %dma_start3A_187 = tpu.memref_squeeze %dma_start3A_186 : memref<1x1x2x256xi32, #tpu.memory_space<hbm>> -> memref<2x256xi32, #tpu.memory_space<hbm>>
        %dma_start3A_188 = arith.constant 0 : i32
        %dma_start3A_189 = arith.constant 0 : i32
        %dma_start3A_190 = tpu.memref_slice %arg7[%rem3A_161, %dma_start3A_188, %dma_start3A_189] : memref<3x2x256xi32, #tpu.memory_space<vmem>> -> memref<1x2x256xi32, #tpu.memory_space<vmem>>
        %dma_start3A_191 = tpu.memref_squeeze %dma_start3A_190 : memref<1x2x256xi32, #tpu.memory_space<vmem>> -> memref<2x256xi32, #tpu.memory_space<vmem>>
        %dma_start3A_192 = arith.constant 0 : i32
        %dma_start3A_193 = arith.constant 0 : i32
        %dma_start3A_194 = tpu.memref_slice %arg3[%dma_start3A_179, %add3A_157, %dma_start3A_192, %dma_start3A_193] : memref<2x3125x2x256xi32, #tpu.memory_space<hbm>> -> memref<1x1x2x256xi32, #tpu.memory_space<hbm>>
        %dma_start3A_195 = tpu.memref_squeeze %dma_start3A_194 : memref<1x1x2x256xi32, #tpu.memory_space<hbm>> -> memref<2x256xi32, #tpu.memory_space<hbm>>
        tpu.enqueue_dma source(%dma_start3A_195 : memref<2x256xi32, #tpu.memory_space<hbm>>) target(%dma_start3A_191 : memref<2x256xi32, #tpu.memory_space<vmem>>) target_semaphore(%arg10 : memref<!tpu.dma_semaphore, #tpu.memory_space<semaphore_mem>>)
      } else {
      }
      %dma_wait3A_111 = arith.constant 0 : i32
      %dma_wait3A_112 = arith.constant 0 : i32
      %dma_wait3A_113 = arith.constant 0 : i32
      %dma_wait3A_114 = tpu.memref_slice %arg8[%rem3A_44, %dma_wait3A_112, %dma_wait3A_113] : memref<3x512x16xf32, #tpu.memory_space<vmem>> -> memref<1x256x16xf32, #tpu.memory_space<vmem>>
      %dma_wait3A_115 = tpu.memref_squeeze %dma_wait3A_114 : memref<1x256x16xf32, #tpu.memory_space<vmem>> -> memref<256x16xf32, #tpu.memory_space<vmem>>
      %dma_wait3A_116 = arith.constant 0 : i32
      %dma_wait3A_117 = tpu.memref_slice %arg6[%rem3A_44, %dma_wait3A_111, %dma_wait3A_116] : memref<3x2x256xi32, #tpu.memory_space<vmem>> -> memref<1x1x256xi32, #tpu.memory_space<vmem>>
      %dma_wait3A_118 = tpu.memref_squeeze %dma_wait3A_117 : memref<1x1x256xi32, #tpu.memory_space<vmem>> -> memref<256xi32, #tpu.memory_space<vmem>>
      %dma_wait3A_119 = arith.constant 0 : i32
      %dma_wait3A_120 = arith.constant 0 : i32
      %dma_wait3A_121 = tpu.memref_slice %arg2[%dma_wait3A_119, %dma_wait3A_120] : memref<100000x16xf32, #tpu.memory_space<hbm>> -> memref<100000x16xf32, #tpu.memory_space<hbm>>
      tpu.wait_indirect_dma semaphore(%arg11 : memref<!tpu.dma_semaphore, #tpu.memory_space<semaphore_mem>>) src(%dma_wait3A_121 : memref<100000x16xf32, #tpu.memory_space<hbm>>) dst(%dma_wait3A_115 : memref<256x16xf32, #tpu.memory_space<vmem>>)
      %dma_wait3A_122 = arith.constant 1 : i32
      %dma_wait3A_123 = arith.constant 256 : i32
      %dma_wait3A_124 = arith.constant 0 : i32
      %dma_wait3A_125 = tpu.memref_slice %arg8[%rem3A_44, %dma_wait3A_123, %dma_wait3A_124] : memref<3x512x16xf32, #tpu.memory_space<vmem>> -> memref<1x256x16xf32, #tpu.memory_space<vmem>>
      %dma_wait3A_126 = tpu.memref_squeeze %dma_wait3A_125 : memref<1x256x16xf32, #tpu.memory_space<vmem>> -> memref<256x16xf32, #tpu.memory_space<vmem>>
      %dma_wait3A_127 = arith.constant 0 : i32
      %dma_wait3A_128 = tpu.memref_slice %arg6[%rem3A_44, %dma_wait3A_122, %dma_wait3A_127] : memref<3x2x256xi32, #tpu.memory_space<vmem>> -> memref<1x1x256xi32, #tpu.memory_space<vmem>>
      %dma_wait3A_129 = tpu.memref_squeeze %dma_wait3A_128 : memref<1x1x256xi32, #tpu.memory_space<vmem>> -> memref<256xi32, #tpu.memory_space<vmem>>
      %dma_wait3A_130 = arith.constant 0 : i32
      %dma_wait3A_131 = arith.constant 0 : i32
      %dma_wait3A_132 = tpu.memref_slice %arg2[%dma_wait3A_130, %dma_wait3A_131] : memref<100000x16xf32, #tpu.memory_space<hbm>> -> memref<100000x16xf32, #tpu.memory_space<hbm>>
      tpu.wait_indirect_dma semaphore(%arg11 : memref<!tpu.dma_semaphore, #tpu.memory_space<semaphore_mem>>) src(%dma_wait3A_132 : memref<100000x16xf32, #tpu.memory_space<hbm>>) dst(%dma_wait3A_126 : memref<256x16xf32, #tpu.memory_space<vmem>>)
      %dma_start3A_133 = arith.constant 0 : i32
      %dma_start3A_134 = arith.constant 0 : i32
      %dma_start3A_135 = arith.constant 0 : i32
      %dma_start3A_136 = tpu.memref_slice %arg8[%rem3A_44, %dma_start3A_134, %dma_start3A_135] : memref<3x512x16xf32, #tpu.memory_space<vmem>> -> memref<1x256x16xf32, #tpu.memory_space<vmem>>
      %dma_start3A_137 = tpu.memref_squeeze %dma_start3A_136 : memref<1x256x16xf32, #tpu.memory_space<vmem>> -> memref<256x16xf32, #tpu.memory_space<vmem>>
      %dma_start3A_138 = arith.constant 0 : i32
      %dma_start3A_139 = tpu.memref_slice %arg7[%rem3A_44, %dma_start3A_133, %dma_start3A_138] : memref<3x2x256xi32, #tpu.memory_space<vmem>> -> memref<1x1x256xi32, #tpu.memory_space<vmem>>
      %dma_start3A_140 = tpu.memref_squeeze %dma_start3A_139 : memref<1x1x256xi32, #tpu.memory_space<vmem>> -> memref<256xi32, #tpu.memory_space<vmem>>
      %dma_start3A_141 = arith.constant 0 : i32
      %dma_start3A_142 = arith.constant 0 : i32
      %dma_start3A_143 = tpu.memref_slice %arg9[%dma_start3A_141, %dma_start3A_142] : memref<10000x16xf32, #tpu.memory_space<vmem_shared>> -> memref<10000x16xf32, #tpu.memory_space<vmem_shared>>
      tpu.enqueue_indirect_dma source(%dma_start3A_137 : memref<256x16xf32, #tpu.memory_space<vmem>>) target(%dma_start3A_143 : memref<10000x16xf32, #tpu.memory_space<vmem_shared>>) offsets(%dma_start3A_140 : memref<256xi32, #tpu.memory_space<vmem>>) semaphore(%arg12 : memref<!tpu.dma_semaphore, #tpu.memory_space<semaphore_mem>>) {add = true}
      %dma_start3A_144 = arith.constant 1 : i32
      %dma_start3A_145 = arith.constant 256 : i32
      %dma_start3A_146 = arith.constant 0 : i32
      %dma_start3A_147 = tpu.memref_slice %arg8[%rem3A_44, %dma_start3A_145, %dma_start3A_146] : memref<3x512x16xf32, #tpu.memory_space<vmem>> -> memref<1x256x16xf32, #tpu.memory_space<vmem>>
      %dma_start3A_148 = tpu.memref_squeeze %dma_start3A_147 : memref<1x256x16xf32, #tpu.memory_space<vmem>> -> memref<256x16xf32, #tpu.memory_space<vmem>>
      %dma_start3A_149 = arith.constant 0 : i32
      %dma_start3A_150 = tpu.memref_slice %arg7[%rem3A_44, %dma_start3A_144, %dma_start3A_149] : memref<3x2x256xi32, #tpu.memory_space<vmem>> -> memref<1x1x256xi32, #tpu.memory_space<vmem>>
      %dma_start3A_151 = tpu.memref_squeeze %dma_start3A_150 : memref<1x1x256xi32, #tpu.memory_space<vmem>> -> memref<256xi32, #tpu.memory_space<vmem>>
      %dma_start3A_152 = arith.constant 0 : i32
      %dma_start3A_153 = arith.constant 0 : i32
      %dma_start3A_154 = tpu.memref_slice %arg9[%dma_start3A_152, %dma_start3A_153] : memref<10000x16xf32, #tpu.memory_space<vmem_shared>> -> memref<10000x16xf32, #tpu.memory_space<vmem_shared>>
      tpu.enqueue_indirect_dma source(%dma_start3A_148 : memref<256x16xf32, #tpu.memory_space<vmem>>) target(%dma_start3A_154 : memref<10000x16xf32, #tpu.memory_space<vmem_shared>>) offsets(%dma_start3A_151 : memref<256xi32, #tpu.memory_space<vmem>>) semaphore(%arg12 : memref<!tpu.dma_semaphore, #tpu.memory_space<semaphore_mem>>) {add = true}
    }
    %gt3A_30 = arith.constant 1 : i32
    %gt3A_31 = arith.cmpi sgt, %max3A_10, %gt3A_30 : i32
    %convert_element_type3A_32 = arith.extui %gt3A_31 : i1 to i32
    %cond3A_33 = arith.constant 0 : i32
    %cond3A_34 = arith.cmpi ne, %convert_element_type3A_32, %cond3A_33 : i32
    scf.if %cond3A_34 {
      %sub3A_41 = arith.constant 2 : i32
      %sub3A_42 = arith.subi %max3A_10, %sub3A_41 : i32
      %rem3A = arith.constant 3 : i32
      %rem3A_43 = arith.remsi %sub3A_42, %rem3A : i32
      %dma_wait3A = arith.constant 0 : i32
      %dma_wait3A_44 = arith.constant 0 : i32
      %dma_wait3A_45 = arith.constant 0 : i32
      %dma_wait3A_46 = tpu.memref_slice %arg8[%rem3A_43, %dma_wait3A_44, %dma_wait3A_45] : memref<3x512x16xf32, #tpu.memory_space<vmem>> -> memref<1x256x16xf32, #tpu.memory_space<vmem>>
      %dma_wait3A_47 = tpu.memref_squeeze %dma_wait3A_46 : memref<1x256x16xf32, #tpu.memory_space<vmem>> -> memref<256x16xf32, #tpu.memory_space<vmem>>
      %dma_wait3A_48 = arith.constant 0 : i32
      %dma_wait3A_49 = tpu.memref_slice %arg7[%rem3A_43, %dma_wait3A, %dma_wait3A_48] : memref<3x2x256xi32, #tpu.memory_space<vmem>> -> memref<1x1x256xi32, #tpu.memory_space<vmem>>
      %dma_wait3A_50 = tpu.memref_squeeze %dma_wait3A_49 : memref<1x1x256xi32, #tpu.memory_space<vmem>> -> memref<256xi32, #tpu.memory_space<vmem>>
      %dma_wait3A_51 = arith.constant 0 : i32
      %dma_wait3A_52 = arith.constant 0 : i32
      %dma_wait3A_53 = tpu.memref_slice %arg9[%dma_wait3A_51, %dma_wait3A_52] : memref<10000x16xf32, #tpu.memory_space<vmem_shared>> -> memref<10000x16xf32, #tpu.memory_space<vmem_shared>>
      tpu.wait_indirect_dma semaphore(%arg12 : memref<!tpu.dma_semaphore, #tpu.memory_space<semaphore_mem>>) src(%dma_wait3A_47 : memref<256x16xf32, #tpu.memory_space<vmem>>) dst(%dma_wait3A_53 : memref<10000x16xf32, #tpu.memory_space<vmem_shared>>)
      %dma_wait3A_54 = arith.constant 1 : i32
      %dma_wait3A_55 = arith.constant 256 : i32
      %dma_wait3A_56 = arith.constant 0 : i32
      %dma_wait3A_57 = tpu.memref_slice %arg8[%rem3A_43, %dma_wait3A_55, %dma_wait3A_56] : memref<3x512x16xf32, #tpu.memory_space<vmem>> -> memref<1x256x16xf32, #tpu.memory_space<vmem>>
      %dma_wait3A_58 = tpu.memref_squeeze %dma_wait3A_57 : memref<1x256x16xf32, #tpu.memory_space<vmem>> -> memref<256x16xf32, #tpu.memory_space<vmem>>
      %dma_wait3A_59 = arith.constant 0 : i32
      %dma_wait3A_60 = tpu.memref_slice %arg7[%rem3A_43, %dma_wait3A_54, %dma_wait3A_59] : memref<3x2x256xi32, #tpu.memory_space<vmem>> -> memref<1x1x256xi32, #tpu.memory_space<vmem>>
      %dma_wait3A_61 = tpu.memref_squeeze %dma_wait3A_60 : memref<1x1x256xi32, #tpu.memory_space<vmem>> -> memref<256xi32, #tpu.memory_space<vmem>>
      %dma_wait3A_62 = arith.constant 0 : i32
      %dma_wait3A_63 = arith.constant 0 : i32
      %dma_wait3A_64 = tpu.memref_slice %arg9[%dma_wait3A_62, %dma_wait3A_63] : memref<10000x16xf32, #tpu.memory_space<vmem_shared>> -> memref<10000x16xf32, #tpu.memory_space<vmem_shared>>
      tpu.wait_indirect_dma semaphore(%arg12 : memref<!tpu.dma_semaphore, #tpu.memory_space<semaphore_mem>>) src(%dma_wait3A_58 : memref<256x16xf32, #tpu.memory_space<vmem>>) dst(%dma_wait3A_64 : memref<10000x16xf32, #tpu.memory_space<vmem_shared>>)
    } else {
    }
    %gt3A_35 = arith.constant 0 : i32
    %gt3A_36 = arith.cmpi sgt, %max3A_10, %gt3A_35 : i32
    %convert_element_type3A_37 = arith.extui %gt3A_36 : i1 to i32
    %cond3A_38 = arith.constant 0 : i32
    %cond3A_39 = arith.cmpi ne, %convert_element_type3A_37, %cond3A_38 : i32
    scf.if %cond3A_39 {
      %sub3A_41 = arith.constant 1 : i32
      %sub3A_42 = arith.subi %max3A_10, %sub3A_41 : i32
      %rem3A = arith.constant 3 : i32
      %rem3A_43 = arith.remsi %sub3A_42, %rem3A : i32
      %dma_wait3A = arith.constant 0 : i32
      %dma_wait3A_44 = arith.constant 0 : i32
      %dma_wait3A_45 = arith.constant 0 : i32
      %dma_wait3A_46 = tpu.memref_slice %arg8[%rem3A_43, %dma_wait3A_44, %dma_wait3A_45] : memref<3x512x16xf32, #tpu.memory_space<vmem>> -> memref<1x256x16xf32, #tpu.memory_space<vmem>>
      %dma_wait3A_47 = tpu.memref_squeeze %dma_wait3A_46 : memref<1x256x16xf32, #tpu.memory_space<vmem>> -> memref<256x16xf32, #tpu.memory_space<vmem>>
      %dma_wait3A_48 = arith.constant 0 : i32
      %dma_wait3A_49 = tpu.memref_slice %arg7[%rem3A_43, %dma_wait3A, %dma_wait3A_48] : memref<3x2x256xi32, #tpu.memory_space<vmem>> -> memref<1x1x256xi32, #tpu.memory_space<vmem>>
      %dma_wait3A_50 = tpu.memref_squeeze %dma_wait3A_49 : memref<1x1x256xi32, #tpu.memory_space<vmem>> -> memref<256xi32, #tpu.memory_space<vmem>>
      %dma_wait3A_51 = arith.constant 0 : i32
      %dma_wait3A_52 = arith.constant 0 : i32
      %dma_wait3A_53 = tpu.memref_slice %arg9[%dma_wait3A_51, %dma_wait3A_52] : memref<10000x16xf32, #tpu.memory_space<vmem_shared>> -> memref<10000x16xf32, #tpu.memory_space<vmem_shared>>
      tpu.wait_indirect_dma semaphore(%arg12 : memref<!tpu.dma_semaphore, #tpu.memory_space<semaphore_mem>>) src(%dma_wait3A_47 : memref<256x16xf32, #tpu.memory_space<vmem>>) dst(%dma_wait3A_53 : memref<10000x16xf32, #tpu.memory_space<vmem_shared>>)
      %dma_wait3A_54 = arith.constant 1 : i32
      %dma_wait3A_55 = arith.constant 256 : i32
      %dma_wait3A_56 = arith.constant 0 : i32
      %dma_wait3A_57 = tpu.memref_slice %arg8[%rem3A_43, %dma_wait3A_55, %dma_wait3A_56] : memref<3x512x16xf32, #tpu.memory_space<vmem>> -> memref<1x256x16xf32, #tpu.memory_space<vmem>>
      %dma_wait3A_58 = tpu.memref_squeeze %dma_wait3A_57 : memref<1x256x16xf32, #tpu.memory_space<vmem>> -> memref<256x16xf32, #tpu.memory_space<vmem>>
      %dma_wait3A_59 = arith.constant 0 : i32
      %dma_wait3A_60 = tpu.memref_slice %arg7[%rem3A_43, %dma_wait3A_54, %dma_wait3A_59] : memref<3x2x256xi32, #tpu.memory_space<vmem>> -> memref<1x1x256xi32, #tpu.memory_space<vmem>>
      %dma_wait3A_61 = tpu.memref_squeeze %dma_wait3A_60 : memref<1x1x256xi32, #tpu.memory_space<vmem>> -> memref<256xi32, #tpu.memory_space<vmem>>
      %dma_wait3A_62 = arith.constant 0 : i32
      %dma_wait3A_63 = arith.constant 0 : i32
      %dma_wait3A_64 = tpu.memref_slice %arg9[%dma_wait3A_62, %dma_wait3A_63] : memref<10000x16xf32, #tpu.memory_space<vmem_shared>> -> memref<10000x16xf32, #tpu.memory_space<vmem_shared>>
      tpu.wait_indirect_dma semaphore(%arg12 : memref<!tpu.dma_semaphore, #tpu.memory_space<semaphore_mem>>) src(%dma_wait3A_58 : memref<256x16xf32, #tpu.memory_space<vmem>>) dst(%dma_wait3A_64 : memref<10000x16xf32, #tpu.memory_space<vmem_shared>>)
    } else {
    }
    %barrier3A_40 = arith.constant 0 : index
    tpu.barrier barrier_id(%barrier3A_40)
    "tpu.region"() ({
      %run_scoped3A = tpu.sem_alloc : memref<!tpu.dma_semaphore, #tpu.memory_space<semaphore_mem>>
      %dma_start3A = arith.constant 0 : i32
      %dma_start3A_41 = tpu.memref_slice %arg5[%arg0, %min3A_1, %dma_start3A] : memref<2x10000x16xf32, #tpu.memory_space<hbm>> -> memref<1x632x16xf32, #tpu.memory_space<hbm>>
      %dma_start3A_42 = tpu.memref_squeeze %dma_start3A_41 : memref<1x632x16xf32, #tpu.memory_space<hbm>> -> memref<632x16xf32, #tpu.memory_space<hbm>>
      %dma_start3A_43 = arith.constant 0 : i32
      %dma_start3A_44 = tpu.memref_slice %arg9[%min3A_1, %dma_start3A_43] : memref<10000x16xf32, #tpu.memory_space<vmem_shared>> -> memref<632x16xf32, #tpu.memory_space<vmem_shared>>
      tpu.enqueue_dma source(%dma_start3A_44 : memref<632x16xf32, #tpu.memory_space<vmem_shared>>) target(%dma_start3A_42 : memref<632x16xf32, #tpu.memory_space<hbm>>) target_semaphore(%run_scoped3A : memref<!tpu.dma_semaphore, #tpu.memory_space<semaphore_mem>>)
      %dma_wait3A = arith.constant 0 : i32
      %dma_wait3A_45 = tpu.memref_slice %arg5[%arg0, %min3A_1, %dma_wait3A] : memref<2x10000x16xf32, #tpu.memory_space<hbm>> -> memref<1x632x16xf32, #tpu.memory_space<hbm>>
      %dma_wait3A_46 = tpu.memref_squeeze %dma_wait3A_45 : memref<1x632x16xf32, #tpu.memory_space<hbm>> -> memref<632x16xf32, #tpu.memory_space<hbm>>
      %dma_wait3A_47 = arith.constant 0 : i32
      %dma_wait3A_48 = tpu.memref_slice %arg9[%min3A_1, %dma_wait3A_47] : memref<10000x16xf32, #tpu.memory_space<vmem_shared>> -> memref<632x16xf32, #tpu.memory_space<vmem_shared>>
      tpu.wait_dma2 semaphore(%run_scoped3A : memref<!tpu.dma_semaphore, #tpu.memory_space<semaphore_mem>>) src(%dma_wait3A_48 : memref<632x16xf32, #tpu.memory_space<vmem_shared>>) dst(%dma_wait3A_46 : memref<632x16xf32, #tpu.memory_space<hbm>>)
      tpu.yield
    }) : () -> ()
    return
  }
}

module attributes {stable_mosaic.version = 14 : i64} {
  func.func @_embed_body(%arg0: i32, %arg1: memref<1664x1024xf32, #tpu.memory_space<vmem>>, %arg2: memref<1664x8xf32, #tpu.memory_space<vmem>>, %arg3: memref<128x32xf32, #tpu.memory_space<vmem>>, %arg4: memref<32x16xf32, #tpu.memory_space<vmem>>, %arg5: memref<1664x128xf32, #tpu.memory_space<vmem>>) attributes {dimension_semantics = [#tpu.dimension_semantics<arbitrary>], iteration_bounds = array<i64: 8>, scalar_prefetch = 0 : i64, scratch_operands = 0 : i64, tpu.core_type = #tpu.core_type<tc>, window_params = [{transform_indices = @transform_0, window_bounds = array<i64: 1664, 1024>}, {transform_indices = @transform_1, window_bounds = array<i64: 1664, 8>}, {pipeline_mode = #tpu.pipeline_mode<synchronous>, transform_indices = @transform_2, window_bounds = array<i64: 128, 32>}, {pipeline_mode = #tpu.pipeline_mode<synchronous>, transform_indices = @transform_3, window_bounds = array<i64: 32, 16>}, {transform_indices = @transform_4, window_bounds = array<i64: 1664, 128>}]} {
    %get3A = arith.constant 0 : index
    %get3A_0 = arith.constant 0 : index
    %get3A_1 = vector.load %arg3[%get3A, %get3A_0] : memref<128x32xf32, #tpu.memory_space<vmem>>, vector<128x32xf32>
    %get3A_2 = arith.constant 0 : index
    %get3A_3 = arith.constant 0 : index
    %get3A_4 = vector.load %arg4[%get3A_2, %get3A_3] : memref<32x16xf32, #tpu.memory_space<vmem>>, vector<32x16xf32>
    %dot_general3A = arith.constant dense<0.000000e+00> : vector<128x16xf32>
    %dot_general3A_5 = tpu.matmul %get3A_1, %get3A_4, %dot_general3A {dimension_numbers = #tpu.dot_dimension_numbers<[1], [0], [0], [1], [0, 0, 1, 1], [], []>, transpose_lhs_hint = false} : vector<128x32xf32>, vector<32x16xf32>, vector<128x16xf32> -> vector<128x16xf32>
    %jit3A = arith.constant 0 : i32
    %convert_element_type3A = arith.sitofp %jit3A : i32 to f32
    %pad3A = vector.broadcast %convert_element_type3A : f32 to vector<128x112xf32>
    %pad3A_6 = tpu.concatenate %dot_general3A_5, %pad3A in 1 : vector<128x16xf32>, vector<128x112xf32> -> vector<128x128xf32>
    %jit3A_7 = arith.constant 0 : i32
    %convert_element_type3A_8 = arith.sitofp %jit3A_7 : i32 to f32
    %pad3A_9 = vector.broadcast %convert_element_type3A_8 : f32 to vector<128x16xf32>
    %pad3A_10 = tpu.concatenate %pad3A_9, %dot_general3A_5 in 1 : vector<128x16xf32>, vector<128x16xf32> -> vector<128x32xf32>
    %pad3A_11 = vector.broadcast %convert_element_type3A_8 : f32 to vector<128x96xf32>
    %pad3A_12 = tpu.concatenate %pad3A_10, %pad3A_11 in 1 : vector<128x32xf32>, vector<128x96xf32> -> vector<128x128xf32>
    %jit3A_13 = arith.constant 0 : i32
    %convert_element_type3A_14 = arith.sitofp %jit3A_13 : i32 to f32
    %pad3A_15 = vector.broadcast %convert_element_type3A_14 : f32 to vector<128x32xf32>
    %pad3A_16 = tpu.concatenate %pad3A_15, %dot_general3A_5 in 1 : vector<128x32xf32>, vector<128x16xf32> -> vector<128x48xf32>
    %pad3A_17 = vector.broadcast %convert_element_type3A_14 : f32 to vector<128x80xf32>
    %pad3A_18 = tpu.concatenate %pad3A_16, %pad3A_17 in 1 : vector<128x48xf32>, vector<128x80xf32> -> vector<128x128xf32>
    %jit3A_19 = arith.constant 0 : i32
    %convert_element_type3A_20 = arith.sitofp %jit3A_19 : i32 to f32
    %pad3A_21 = vector.broadcast %convert_element_type3A_20 : f32 to vector<128x48xf32>
    %pad3A_22 = tpu.concatenate %pad3A_21, %dot_general3A_5 in 1 : vector<128x48xf32>, vector<128x16xf32> -> vector<128x64xf32>
    %pad3A_23 = vector.broadcast %convert_element_type3A_20 : f32 to vector<128x64xf32>
    %pad3A_24 = tpu.concatenate %pad3A_22, %pad3A_23 in 1 : vector<128x64xf32>, vector<128x64xf32> -> vector<128x128xf32>
    %jit3A_25 = arith.constant 0 : i32
    %convert_element_type3A_26 = arith.sitofp %jit3A_25 : i32 to f32
    %pad3A_27 = vector.broadcast %convert_element_type3A_26 : f32 to vector<128x64xf32>
    %pad3A_28 = tpu.concatenate %pad3A_27, %dot_general3A_5 in 1 : vector<128x64xf32>, vector<128x16xf32> -> vector<128x80xf32>
    %pad3A_29 = vector.broadcast %convert_element_type3A_26 : f32 to vector<128x48xf32>
    %pad3A_30 = tpu.concatenate %pad3A_28, %pad3A_29 in 1 : vector<128x80xf32>, vector<128x48xf32> -> vector<128x128xf32>
    %jit3A_31 = arith.constant 0 : i32
    %convert_element_type3A_32 = arith.sitofp %jit3A_31 : i32 to f32
    %pad3A_33 = vector.broadcast %convert_element_type3A_32 : f32 to vector<128x80xf32>
    %pad3A_34 = tpu.concatenate %pad3A_33, %dot_general3A_5 in 1 : vector<128x80xf32>, vector<128x16xf32> -> vector<128x96xf32>
    %pad3A_35 = vector.broadcast %convert_element_type3A_32 : f32 to vector<128x32xf32>
    %pad3A_36 = tpu.concatenate %pad3A_34, %pad3A_35 in 1 : vector<128x96xf32>, vector<128x32xf32> -> vector<128x128xf32>
    %jit3A_37 = arith.constant 0 : i32
    %convert_element_type3A_38 = arith.sitofp %jit3A_37 : i32 to f32
    %pad3A_39 = vector.broadcast %convert_element_type3A_38 : f32 to vector<128x96xf32>
    %pad3A_40 = tpu.concatenate %pad3A_39, %dot_general3A_5 in 1 : vector<128x96xf32>, vector<128x16xf32> -> vector<128x112xf32>
    %pad3A_41 = vector.broadcast %convert_element_type3A_38 : f32 to vector<128x16xf32>
    %pad3A_42 = tpu.concatenate %pad3A_40, %pad3A_41 in 1 : vector<128x112xf32>, vector<128x16xf32> -> vector<128x128xf32>
    %jit3A_43 = arith.constant 0 : i32
    %convert_element_type3A_44 = arith.sitofp %jit3A_43 : i32 to f32
    %pad3A_45 = vector.broadcast %convert_element_type3A_44 : f32 to vector<128x112xf32>
    %pad3A_46 = tpu.concatenate %pad3A_45, %dot_general3A_5 in 1 : vector<128x112xf32>, vector<128x16xf32> -> vector<128x128xf32>
    %concatenate3A = tpu.concatenate %pad3A_6, %pad3A_12, %pad3A_18, %pad3A_24, %pad3A_30, %pad3A_36, %pad3A_42, %pad3A_46 in 0 : vector<128x128xf32>, vector<128x128xf32>, vector<128x128xf32>, vector<128x128xf32>, vector<128x128xf32>, vector<128x128xf32>, vector<128x128xf32>, vector<128x128xf32> -> vector<1024x128xf32>
    %get3A_47 = arith.constant 0 : index
    %get3A_48 = arith.constant 0 : index
    %get3A_49 = vector.load %arg1[%get3A_47, %get3A_48] : memref<1664x1024xf32, #tpu.memory_space<vmem>>, vector<1664x1024xf32>
    %dot_general3A_50 = arith.constant dense<0.000000e+00> : vector<1664x128xf32>
    %dot_general3A_51 = tpu.matmul %get3A_49, %concatenate3A, %dot_general3A_50 {dimension_numbers = #tpu.dot_dimension_numbers<[1], [0], [0], [1], [0, 0, 1, 1], [], []>, transpose_lhs_hint = false} : vector<1664x1024xf32>, vector<1024x128xf32>, vector<1664x128xf32> -> vector<1664x128xf32>
    %iota3A = tpu.iota {dimensions = array<i32: 0>} : vector<8x128xi32>
    %iota3A_52 = tpu.iota {dimensions = array<i32: 1>} : vector<8x128xi32>
    %jit3A_53 = arith.constant 16 : i32
    %div3A = vector.broadcast %jit3A_53 : i32 to vector<8x128xi32>
    %div3A_54 = arith.divsi %iota3A_52, %div3A : vector<8x128xi32>
    %sign3A = arith.constant 0 : i32
    %sign3A_55 = vector.broadcast %sign3A : i32 to vector<8x128xi32>
    %sign3A_56 = arith.cmpi sgt, %iota3A_52, %sign3A_55 : vector<8x128xi32>
    %sign3A_57 = arith.extui %sign3A_56 : vector<8x128xi1> to vector<8x128xi32>
    %sign3A_58 = arith.constant 0 : i32
    %sign3A_59 = vector.broadcast %sign3A_58 : i32 to vector<8x128xi32>
    %sign3A_60 = arith.cmpi slt, %iota3A_52, %sign3A_59 : vector<8x128xi32>
    %sign3A_61 = arith.extui %sign3A_60 : vector<8x128xi1> to vector<8x128xi32>
    %sign3A_62 = arith.subi %sign3A_57, %sign3A_61 : vector<8x128xi32>
    %sign3A_63 = arith.constant 0 : i32
    %sign3A_64 = arith.cmpi sgt, %jit3A_53, %sign3A_63 : i32
    %sign3A_65 = arith.extui %sign3A_64 : i1 to i32
    %sign3A_66 = arith.constant 0 : i32
    %sign3A_67 = arith.cmpi slt, %jit3A_53, %sign3A_66 : i32
    %sign3A_68 = arith.extui %sign3A_67 : i1 to i32
    %sign3A_69 = arith.subi %sign3A_65, %sign3A_68 : i32
    %ne3A = vector.broadcast %sign3A_69 : i32 to vector<8x128xi32>
    %ne3A_70 = arith.cmpi ne, %sign3A_62, %ne3A : vector<8x128xi32>
    %rem3A = vector.broadcast %jit3A_53 : i32 to vector<8x128xi32>
    %rem3A_71 = arith.remsi %iota3A_52, %rem3A : vector<8x128xi32>
    %ne3A_72 = arith.constant 0 : i32
    %ne3A_73 = vector.broadcast %ne3A_72 : i32 to vector<8x128xi32>
    %ne3A_74 = arith.cmpi ne, %rem3A_71, %ne3A_73 : vector<8x128xi32>
    %and3A = arith.andi %ne3A_70, %ne3A_74 : vector<8x128xi1>
    %sub3A = arith.constant 1 : i32
    %sub3A_75 = vector.broadcast %sub3A : i32 to vector<8x128xi32>
    %sub3A_76 = arith.subi %div3A_54, %sub3A_75 : vector<8x128xi32>
    %select_n3A = arith.select %and3A, %sub3A_76, %div3A_54 : vector<8x128xi1>, vector<8x128xi32>
    %eq3A = arith.cmpi eq, %select_n3A, %iota3A : vector<8x128xi32>
    %convert_element_type3A_77 = arith.extui %eq3A : vector<8x128xi1> to vector<8x128xi32>
    %convert_element_type3A_78 = arith.sitofp %convert_element_type3A_77 : vector<8x128xi32> to vector<8x128xf32>
    %get3A_79 = arith.constant 0 : index
    %get3A_80 = arith.constant 0 : index
    %get3A_81 = vector.load %arg2[%get3A_79, %get3A_80] : memref<1664x8xf32, #tpu.memory_space<vmem>>, vector<1664x8xf32>
    %dot_general3A_82 = arith.constant dense<0.000000e+00> : vector<1664x128xf32>
    %dot_general3A_83 = tpu.matmul %get3A_81, %convert_element_type3A_78, %dot_general3A_82 {dimension_numbers = #tpu.dot_dimension_numbers<[1], [0], [0], [1], [0, 0, 1, 1], [], []>, transpose_lhs_hint = false} : vector<1664x8xf32>, vector<8x128xf32>, vector<1664x128xf32> -> vector<1664x128xf32>
    %div3A_84 = arith.divf %dot_general3A_51, %dot_general3A_83 : vector<1664x128xf32>
    %swap3A = arith.constant 0 : index
    %swap3A_85 = arith.constant 0 : index
    %swap3A_86 = vector.load %arg5[%swap3A, %swap3A_85] : memref<1664x128xf32, #tpu.memory_space<vmem>>, vector<1664x128xf32>
    tpu.vector_store %arg5[%swap3A, %swap3A_85], %div3A_84 {strides = array<i32>} : memref<1664x128xf32, #tpu.memory_space<vmem>>, vector<1664x128xf32>,
    return
  }
  func.func @transform_0(%arg0: i32) -> (i32, i32) {
    %c0_i32 = arith.constant 0 : i32
    %c0_i32_0 = arith.constant 0 : i32
    return %arg0, %c0_i32 : i32, i32
  }
  func.func @transform_1(%arg0: i32) -> (i32, i32) {
    %c0_i32 = arith.constant 0 : i32
    %c0_i32_0 = arith.constant 0 : i32
    return %arg0, %c0_i32 : i32, i32
  }
  func.func @transform_2(%arg0: i32) -> (i32, i32) {
    %c0_i32 = arith.constant 0 : i32
    %c0_i32_0 = arith.constant 0 : i32
    %c0_i32_1 = arith.constant 0 : i32
    return %c0_i32, %c0_i32_0 : i32, i32
  }
  func.func @transform_3(%arg0: i32) -> (i32, i32) {
    %c0_i32 = arith.constant 0 : i32
    %c0_i32_0 = arith.constant 0 : i32
    %c0_i32_1 = arith.constant 0 : i32
    return %c0_i32, %c0_i32_0 : i32, i32
  }
  func.func @transform_4(%arg0: i32) -> (i32, i32) {
    %c0_i32 = arith.constant 0 : i32
    %c0_i32_0 = arith.constant 0 : i32
    return %arg0, %c0_i32 : i32, i32
  }
}

module attributes {stable_mosaic.version = 14 : i64} {
  func.func @_fin_body(%arg0: memref<2x10000x16xf32, #tpu.memory_space<vmem>>, %arg1: memref<10000x2xi32, #tpu.memory_space<vmem>>, %arg2: memref<10000x16xf32, #tpu.memory_space<vmem>>) attributes {dimension_semantics = [], scalar_prefetch = 0 : i64, scratch_operands = 0 : i64, tpu.core_type = #tpu.core_type<tc>} {
    %get3A = arith.constant 0 : index
    %get3A_0 = arith.constant 0 : index
    %get3A_1 = arith.constant 0 : index
    %get3A_2 = vector.load %arg0[%get3A, %get3A_0, %get3A_1] : memref<2x10000x16xf32, #tpu.memory_space<vmem>>, vector<1x10000x16xf32>
    %get3A_3 = vector.shape_cast %get3A_2 : vector<1x10000x16xf32> to vector<10000x16xf32>
    %get3A_4 = arith.constant 1 : index
    %get3A_5 = arith.constant 0 : index
    %get3A_6 = arith.constant 0 : index
    %get3A_7 = vector.load %arg0[%get3A_4, %get3A_5, %get3A_6] : memref<2x10000x16xf32, #tpu.memory_space<vmem>>, vector<1x10000x16xf32>
    %get3A_8 = vector.shape_cast %get3A_7 : vector<1x10000x16xf32> to vector<10000x16xf32>
    %add3A = arith.addf %get3A_3, %get3A_8 : vector<10000x16xf32>
    %get3A_9 = arith.constant 0 : index
    %get3A_10 = arith.constant 0 : index
    %get3A_11 = vector.load %arg1[%get3A_9, %get3A_10] : memref<10000x2xi32, #tpu.memory_space<vmem>>, vector<10000x2xi32>
    %slice3A = vector.extract_strided_slice %get3A_11 {offsets = [0, 1], sizes = [10000, 1], strides = [1, 1]} : vector<10000x2xi32> to vector<10000x1xi32>
    %slice3A_12 = vector.extract_strided_slice %get3A_11 {offsets = [0, 0], sizes = [10000, 1], strides = [1, 1]} : vector<10000x2xi32> to vector<10000x1xi32>
    %sub3A = arith.subi %slice3A, %slice3A_12 : vector<10000x1xi32>
    %convert_element_type3A = arith.sitofp %sub3A : vector<10000x1xi32> to vector<10000x1xf32>
    %max3A = arith.constant 1.000000e+00 : f32
    %max3A_13 = vector.broadcast %max3A : f32 to vector<10000x1xf32>
    %max3A_14 = arith.maximumf %convert_element_type3A, %max3A_13 : vector<10000x1xf32>
    %div3A = vector.broadcast %max3A_14 : vector<10000x1xf32> to vector<10000x16xf32>
    %div3A_15 = arith.divf %add3A, %div3A : vector<10000x16xf32>
    %swap3A = arith.constant 0 : index
    %swap3A_16 = arith.constant 0 : index
    %swap3A_17 = vector.load %arg2[%swap3A, %swap3A_16] : memref<10000x16xf32, #tpu.memory_space<vmem>>, vector<10000x16xf32>
    tpu.vector_store %arg2[%swap3A, %swap3A_16], %div3A_15 {strides = array<i32>} : memref<10000x16xf32, #tpu.memory_space<vmem>>, vector<10000x16xf32>,
    return
  }
}

</mosaic_0001>

<sc_bundles>
// kernel: kernel.5.cloned.1.call-start
scs
__scs_entry_jumppad:
0x0: {  	(pc) =	sbr.rel $0x88, $3  }
0x1: {  	(tag) =	ssettag $0x0;
	lr =	simm.s32 $0x1  }
0x2: {  	[smem:$0x3F9B] =	sst lr;
	_ =	strace $0xD0000000  }
0x3: {  	_ = 	snop  }
0x4: {  	_ = 	snop  }
0x5: {  	_ = 	snop  }
0x6: {  	_ = 	snop  }
0x7: {  	_ = 	snop  }
__scs_overlays_trampoline_lowered:
0x8: {  	[smem:$0x3FAA] =	sst s0  }
0x9: {  	[smem:$0x3FAB] =	sst s1  }
0xa: {  	[smem:$0x3FAC] =	sst s2  }
0xb: {  	[smem:$0x3FAD] =	sst s3  }
0xc: {  	[smem:$0x3FAE] =	sst s4  }
0xd: {  	[smem:$0x3FAF] =	sst s5  }
0xe: {  	[smem:$0x3FB0] =	sst s6  }
0xf: {  	[smem:$0x3FB1] =	sst s7  }
0x10: {  	[smem:$0x3FB2] =	sst s8  }
0x11: {  	[smem:$0x3FB3] =	sst s9;
	s0 =	simm.s32 @!p0 $0x0  }
0x12: {  	s1 =	sld [smem:$0x3F99];
	s0 =	simm.s32 @p0 $0x1  }
0x13: {  	[smem:$0x3FB4] =	sst s0;
	s0 =	simm.s32 @!p1 $0x0  }
0x14: {  	s2 =	sld [smem:$0x3F98];
	s0 =	simm.s32 @p1 $0x1  }
0x15: {  	[smem:$0x3FB5] =	sst s0;
	s0 =	simm.s32 @!p2 $0x0  }
0x16: {  	s3 =	sld [smem:$0x3FDB];
	s0 =	simm.s32 @p2 $0x1  }
0x17: {  	s4 =	simm.s32 $0x1BF5;
	[smem:$0x3FB7] =	sst s0  }
0x18: {  	s0 =	sld [smem:$0x3F9A];
	_ =	swait.ge [sflag:s4], $0x0  }
0x19: {  	s7 =	sld [smem:$0x3F9B]  }
0x1a: {  	s8 =	sadd.s32 $0xFFFFE003, lr  }
0x1b: {  	s9 =	sadd.s32 $0xFFFFFEF7, lr;
	s5 =	simm.s32 $0xFFFFFFFF;
	p2 =	slt.u32 s8, $0xFFFFF086  }
0x1c: {  	p1 =	slt.u32 s9, $0xF7A;
	s5 =	simm.s32 @!p2 $0x0  }
0x1d: {  	s5 =	simm.s32 @p1 $0x1;
	p0 =	seq.s32 s7, s2  }
0x1e: {  	s7 =	smul.u32 @!p0 $0xF7A, s2;
	p2 =	seq.s32 @!p0 s5, $0x0  }
0x1f: {  	s9 =	smul.u32 $0xF7A, s1;
	s8 =	simm.s32 @!p0 $0x1BF5;
	p2 =	por !p2, p0  }
0x20: {  	[sflag:s8] =	ssyncset.s32 @!p0 $0xFFFFF086;
	s6 =	sadd.s32 @!p0 s3, s7;
	s7 =	simm.s32 @!p0 $0x108  }
0x21: {  	s3 =	sadd.s32 s3, s9;
	s6 =	sadd.s32 @!p0 $0x88, s6;
	s7 =	simm.s32 @p2 $0x1082  }
0x22: {  	[simem:s7], [sflag:s8] =	dma.local @!p0 [hbm:s6], $0xF7A  }
0x23: {  	s9 =	sor.u32 $0xD0000000, s2;
	s6 =	simm.s32 $0x108;
	_ =	swait.ge @!p0 [sflag:s8], $0x0  }
0x24: {  	s3 =	sadd.s32 $0x88, s3;
	s6 =	simm.s32 @!p1 $0x1082;
	[sflag:s4] =	ssyncset.s32 $0xFFFFF086  }
0x25: {  	[simem:s6], [sflag:s4] =	dma.local [hbm:s3], $0xF7A  }
0x26: {  	[smem:$0x3F9B] =	sst s1;
	(tag) =	ssettag s2;
	_ =	strace s9  }
0x27: {  	s1 =	sld [smem:$0x3FAB]  }
0x28: {  	s2 =	sld [smem:$0x3FAC]  }
0x29: {  	s4 =	sld [smem:$0x3FAE]  }
0x2a: {  	p0 =	seq.s32 s5, $0x0;
	s5 =	sld [smem:$0x3FAF]  }
0x2b: {  	s6 =	sld [smem:$0x3FB0]  }
0x2c: {  	s7 =	sld [smem:$0x3FB1]  }
0x2d: {  	s3 =	simm.s32 $0x108;
	s8 =	sld [smem:$0x3FB2]  }
0x2e: {  	s3 =	simm.s32 @!p0 $0x1082;
	s9 =	sld [smem:$0x3FB3]  }
0x2f: {  	lr =	sadd.s32 s0, s3;
	s0 =	sld [smem:$0x3FAA]  }
0x30: {  	s3 =	sld [smem:$0x3FAD]  }
0x31: {  	[smem:$0x3FB6] =	sst s10  }
0x32: {  	s10 =	sld [smem:$0x3FB4];
	_ =	sdelay $0x3  }
0x33: {  	p0 =	seq.s32 s10, $0x1;
	s10 =	sld [smem:$0x3FB6];
	_ =	sdelay $0x3  }
0x34: {  	[smem:$0x3FB6] =	sst s10  }
0x35: {  	s10 =	sld [smem:$0x3FB5];
	_ =	sdelay $0x3  }
0x36: {  	p1 =	seq.s32 s10, $0x1;
	s10 =	sld [smem:$0x3FB6];
	_ =	sdelay $0x3  }
0x37: {  	[smem:$0x3FB6] =	sst s10  }
0x38: {  	s10 =	sld [smem:$0x3FB7]  }
0x39: {  	_ = 	snop;
	(pc) =	sbr.ind lr, $3  }
0x3a: {  	_ = 	snop  }
0x3b: {  	_ = 	snop  }
0x3c: {  	p2 =	seq.s32 s10, $0x1;
	s10 =	sld [smem:$0x3FB6]  }
0x3d: {  	_ =	shalt  }
0x3e: {  	_ =	shalt  }
0x3f: {  	_ =	shalt  }
0x40: {  	_ =	shalt  }
0x41: {  	_ =	shalt  }
0x42: {  	_ =	shalt  }
0x43: {  	_ =	shalt  }
0x44: {  	_ =	shalt  }
0x45: {  	_ =	shalt  }
0x46: {  	_ =	shalt  }
0x47: {  	_ =	shalt  }
0x48: {  	_ =	shalt  }
0x49: {  	_ =	shalt  }
0x4a: {  	_ =	shalt  }
0x4b: {  	_ =	shalt  }
0x4c: {  	_ =	shalt  }
0x4d: {  	_ =	shalt  }
0x4e: {  	_ =	shalt  }
0x4f: {  	_ =	shalt  }
0x50: {  	_ =	shalt  }
0x51: {  	_ =	shalt  }
0x52: {  	_ =	shalt  }
0x53: {  	_ =	shalt  }
0x54: {  	_ =	shalt  }
0x55: {  	_ =	shalt  }
0x56: {  	_ =	shalt  }
0x57: {  	_ =	shalt  }
0x58: {  	_ =	shalt  }
0x59: {  	_ =	shalt  }
0x5a: {  	_ =	shalt  }
0x5b: {  	_ =	shalt  }
0x5c: {  	_ =	shalt  }
0x5d: {  	_ =	shalt  }
0x5e: {  	_ =	shalt  }
0x5f: {  	_ =	shalt  }
0x60: {  	_ =	shalt  }
0x61: {  	_ =	shalt  }
0x62: {  	_ =	shalt  }
0x63: {  	_ =	shalt  }
0x64: {  	_ =	shalt  }
0x65: {  	_ =	shalt  }
0x66: {  	_ =	shalt  }
0x67: {  	_ =	shalt  }
0x68: {  	_ =	shalt  }
0x69: {  	_ =	shalt  }
0x6a: {  	_ =	shalt  }
0x6b: {  	_ =	shalt  }
0x6c: {  	_ =	shalt  }
0x6d: {  	_ =	shalt  }
0x6e: {  	_ =	shalt  }
0x6f: {  	_ =	shalt  }
0x70: {  	_ =	shalt  }
0x71: {  	_ =	shalt  }
0x72: {  	_ =	shalt  }
0x73: {  	_ =	shalt  }
0x74: {  	_ =	shalt  }
0x75: {  	_ =	shalt  }
0x76: {  	_ =	shalt  }
0x77: {  	_ =	shalt  }
0x78: {  	_ =	shalt  }
0x79: {  	_ =	shalt  }
0x7a: {  	_ =	shalt  }
0x7b: {  	_ =	shalt  }
0x7c: {  	_ =	shalt  }
0x7d: {  	_ =	shalt  }
0x7e: {  	_ =	shalt  }
0x7f: {  	_ =	shalt  }
0x80: {  	_ =	shalt  }
0x81: {  	_ =	shalt  }
0x82: {  	_ =	shalt  }
0x83: {  	_ =	shalt  }
0x84: {  	_ =	shalt  }
0x85: {  	_ =	shalt  }
0x86: {  	_ =	shalt  }
0x87: {  	_ =	shalt  }
.Lfunc_end0:
.L_simem_size_0:
called_computation_lowered:
.L_overlay_start_0:
0x88: {  	s2 =	sld [smem:$0x3FD9]  }
0x89: {  	s3 =	sld [smem:$0x3FFE];
	_ =	sdelay $0x1  }
0x8a: {  	s1 =	srdreg.scid  }
0x8b: {  	s0 =	sand.u32 $0x1, s1  }
0x8c: {  	s17 =	sshll.u32 s0, $0xA;
	s2 =	sadd.s32 s3, s2  }
0x8d: {  	s2 =	sadd.s32 s2, s17  }
0x8e: {  	[smem:$0x3FC2] =	sst s2  }
0x8f: {  	_ = 	snop  }
0x90: {  	s2 =	sld [smem:$0x3FD0];
	(tm) =	ssettm $0x1  }
0x91: {  	s18 =	sld [smem:$0x3FFB];
	_ =	sdelay $0x3  }
0x92: {  	_ =	strace s18  }
0x93: {  	s3 =	sld [smem:$0x3FFC];
	_ =	sdelay $0x3  }
0x94: {  	_ =	strace s3  }
0x95: {  	s3 =	sld [smem:$0x3FFD];
	_ =	sdelay $0x3  }
0x96: {  	_ =	strace s3  }
0x97: {  	_ =	strace $0x8FFFFFFF  }
0x98: {  	s19 =	sld [smem:$0x3FDB];
	_ =	sdelay $0x1  }
0x99: {  	s4 =	simm.s32 $_scs_section_size  }
0x9a: {  	s5 =	simm.s32 $_size__tile_overlayer_lowered;
	s6 =	simm.s32 $_tile_overlayer_lowered  }
0x9b: {  	s22 =	simm.s32 $0x1BFF;
	s21 =	sshll.u32 s6, $0x1;
	s3 =	sadd.s32 s4, s19  }
0x9c: {  	s7 =	simm.s32 $0x0;
	s20 =	sshll.u32 s5, $0x1;
	s5 =	sadd.s32 s21, s3  }
0x9d: {  	[timem:s7], [sflag:s22] =	dma.local [hbm:s5], s20  }
0x9e: {  	_ =	swait.ge [sflag:s22], s20  }
0x9f: {  	s4 =	ssub.s32 $0x0, s20;
	[sflag:s22] =	ssyncset.done $0x0  }
0xa0: {  	[sflag:s22] =	ssyncadd.s32 s4;
	_ =	sdelay $0x1  }
0xa1: {  	s23 =	simm.s32 $0x1B8B  }
0xa2: {  	_ =	swait.ge [sflag:s23], $0x1  }
0xa3: {  	[sflag:s23] =	ssyncset.done $0x0  }
0xa4: {  	s25 =	simm.s32 $0x1B8E;
	s24 =	sld [smem:$0x3FFE];
	[sflag:s23] =	ssyncadd.s32 $0xFFFFFFFF  }
0xa5: {  	s26 =	simm.s32 $execute0_lowered;
	[smem:$0x3FD2] =	sst s25  }
0xa6: {  	s5 =	sshll.u32 s26, $0x1;
	_ =	strace $0x80000046;
	[dreg:$0x1] =	wrdreg $0xFFFFFFFF  }
0xa7: {  	s28 =	simm.s32 $_size_execute0_lowered;
	s3 =	sadd.s32 s3, s5;
	[dreg:$0x0] =	wrdreg $0x0  }
0xa8: {  	s5 =	sshll.u32 s28, $0x1;
	[dreg:$0x2] =	wrdreg s3  }
0xa9: {  	[dreg:$0x3] =	wrdreg s5  }
0xaa: {  	[dreg:$0x4] =	wrdreg $0xC0  }
0xab: {  	_ =	task [dreg:s7], $0x5FFFF  }
0xac: {  	[dreg:$0x1] =	wrdreg $0xFFFFFFFF  }
0xad: {  	[dreg:$0x0] =	wrdreg $0x60  }
0xae: {  	[dreg:$0x2] =	wrdreg s24  }
0xaf: {  	[dreg:$0x3] =	wrdreg s2  }
0xb0: {  	[dreg:$0x4] =	wrdreg $0x6C000  }
0xb1: {  	[dreg:$0x5] =	wrdreg $0x9  }
0xb2: {  	_ =	task.clear_ibuf [dreg:s7], $0x6FFFF;
	_ =	strace $0x90000046  }
0xb3: {  	s29 =	simm.s32 $0x9;
	_ =	strace $0x80000048  }
0xb4: {  	_ =	swait.ge [sflag:s29], $0x1  }
0xb5: {  	[sflag:s29] =	ssyncadd.s32 $0xFFFFFFFF  }
0xb6: {  	_ =	strace $0x90000048  }
0xb7: {  	_ =	sfence  }
0xb8: {  	s30 =	sld [smem:$0x0];
	_ =	sdelay $0x2  }
0xb9: {  	s31 =	sshll.u32 s1, $0xD;
	s1 =	sshrl.u32 s1, $0x2  }
0xba: {  	s3 =	sand.u32 $0x4000, s31;
	s1 =	sadd.s32 s1, s30  }
0xbb: {  	s0 =	sor.u32 s3, s0;
	s1 =	sshll.u32 s1, $0x11  }
0xbc: {  	s0 =	sor.u32 s1, s0  }
0xbd: {  	s0 =	sadd.s32 $0x8F2B, s0  }
0xbe: {  	[sflag:s0] =	ssyncadd.remote.s32 $0x1  }
0xbf: {  	_ =	sfence.sel $0xFFFF  }
0xc0: {  	[dreg:$0x0] =	wrdreg $0xFFFFFFFF;
	(pc) =	sbr.abs _section_cstart, $3  }
0xc1: {  	[dreg:$0x1] =	wrdreg $0xFFFFFFFF  }
0xc2: {  	_ =	task.clear_ibuf [dreg:s7], $0x2FFFF;
	_ =	strace $0x9FFFFFFF  }
0xc3: {  	(tm) =	ssettm $0x7FFFFFFF  }
tec
execute0_lowered:
.L_overlay_start_1:
0x0: {  	(tag) =	ssettag $0x1  }
0x1: {  	s6 =	rddreg [dreg:$0x0]  }
0x2: {  	s7 =	rddreg [dreg:$0x1]  }
0x3: {  	s2 =	rddreg [dreg:$0x2];
	s0 =	stileid.u32;
	s1 =	simm.s32 $0x0  }
0x4: {  	s4 =	srdreg.scid;
	s17 =	simm.s32 $0x100;
	s5 =	smul.u32 $0x278, s0  }
0x5: {  	s18 =	simm.s32 $0x2;
	s19 =	simm.s32 $0x3;
	s24 =	smul.u32 $0x62, s0  }
0x6: {  	s20 =	simm.s32 $0x0;
	s8 =	sand.u32 $0x1, s4;
	s30 =	smul.u32 $0xC400, s0  }
0x7: {  	[smem:$0x7FF] =	sst s1;
	s4 =	sadd.s32 $0x1000, s6;
	s10 =	smul.u32 $0x27100, s8  }
0x8: {  	s25 =	sshll.u32 s0, $0x6;
	_ =	strace $0x80000047;
	s15 =	smul.u32 $0x620, s8  }
0x9: {  	s12 =	sshll.u32 s8, $0x4;
	s13 =	ssub.s32 $0x2, s8;
	s29 =	smul.u32 $0xC4000, s8  }
0xa: {  	s9 =	smin.u32 s5, $0x2498;
	s5 =	sadd.s32 $0x187C00, s6;
	s12 =	sor.u32 s0, s12  }
0xb: {  	s22 =	sshrl.u32 s13, $0x1;
	s11 =	sshll.u32 s9, $0x4;
	s14 =	smul.u32 $0x62, s12  }
0xc: {  	s13 =	ssub.s32 s13, s22;
	s23 =	sshll.u32 s9, $0x1;
	s12 =	smul.u32 $0xC400, s12  }
0xd: {  	s9 =	sadd.s32 s24, s15;
	s10 =	sadd.s32 s10, s11;
	s16 =	sadd.s32 s11, s2  }
0xe: {  	s28 =	smin.u32 s9, $0xBD3;
	s10 =	sshrl.u32 s10, $0x3;
	s26 =	smax.u32 s14, $0xBD3  }
0xf: {  	s12 =	sshrl.u32 s12, $0x3;
	s9 =	ssub.s32 s28, s9;
	s14 =	simm.s32 $0x4  }
0x10: {  	s10 =	sadd.s32 s10, s6;
	s6 =	sadd.s32 s7, s23;
	s7 =	sor.u32 $0x1C04, s25  }
0x11: {  	s11 =	ssub.s32 $0xC35, s26;
	s8 =	sadd.s32 s5, s12;
	s15 =	sadd.s32 $0x62, s9  }
0x12: {  	s12 =	sadd.s32 s30, s29;
	[dreg:$0x4] =	wrdreg s11;
	p0 =	sgt.s32 s15, $0x1  }
0x13: {  	s9 =	sadd.s32 $0x30D40, s8;
	s10 =	sadd.s32 $0x31E00, s10;
	s15 =	simm.s32 @!p0 $0x1  }
0x14: {  	s11 =	smax.u32 s13, $0x1;
	s12 =	sadd.s32 $0x186C00, s12;
	s31 =	ssub.s32 $0x0, s15  }
0x15: {  	s13 =	sshrl.u32 s16, $0x3;
	s16 =	simm.s32 $0x1;
	[dreg:$0x5] =	wrdreg s31  }
.LBB2_1:
0x16: {  	[spmem:s13], [sflag:s7] =	dma.local [hbm:s6], $0x4F0  }
0x17: {  	_ =	swait.ge [sflag:s14], $0x4F0  }
0x18: {  	[sflag:s14] =	ssyncset.done $0x0  }
0x19: {  	s0 =	simm.s32 $0x0;
	s1 =	simm.s32 $0x600;
	[sflag:s14] =	ssyncadd.s32 $0xFFFFFB10  }
0x1a: {  	s21 =	simm.s32 $0xC00;
	s22 =	simm.s32 $0x0;
	[bflag:$0x0] =	sbarrier.arrive $0xFFFF  }
0x1b: {  	[tilespmem:s0], [sflag:$0x1] =	stream.linear.gather [hbm4b:s8+s0], $0x200, $0x38;
	[tilespmem:$0x9310] =	vst v63  }
0x1c: {  	s23 =	simm.s32 $0x1;
	s24 =	smov.u32 s12;
	s25 =	simm.s32 $0x0  }
0x1d: {  	[tilespmem:s1], [sflag:$0x1] =	stream.linear.gather [hbm4b:s9+s0], $0x200, $0x38;
	[tilespmem:$0x9310] =	vst v63  }
.LBB2_2:
0x1e: {  	s26 =	sadd.s32 $0xFFFFFFFF, s23  }
0x1f: {  	p0 =	slt.u32 s26, $0x2  }
0x20: {  	s26 =	simm.s32 @!p0 $0x3  }
0x21: {  	_ =	swait.ge @!p0 [sflag:s26], $0x1000  }
0x22: {  	[sflag:s26] =	ssyncset.done @!p0 $0x0  }
0x23: {  	s28 =	smulhi.u32 $0xAAAAAAAB, s25;
	[sflag:s26] =	ssyncadd.s32 @!p0 $0xFFFFF000  }
0x24: {  	_ =	swait.ge @!p0 [sflag:s26], $0x1000  }
0x25: {  	s29 =	smulhi.u32 $0xAAAAAAAB, s23;
	s15 =	sshrl.u32 s28, $0x1;
	[sflag:s26] =	ssyncset.done @!p0 $0x0  }
0x26: {  	s28 =	smul.u32 $0xFFFE8000, s15;
	[sflag:s26] =	ssyncadd.s32 @!p0 $0xFFFFF000  }
0x27: {  	s30 =	sshra.s32 s22, $0x2;
	_ =	swait.ge [sflag:s16], $0x200  }
0x28: {  	s29 =	sshrl.u32 s29, $0x1;
	s28 =	sshra.s32 s28, $0x2;
	[sflag:s16] =	ssyncset.done $0x0  }
0x29: {  	s28 =	sadd.s32 s28, s21;
	s26 =	smul.u32 $0xFFFFE800, s15;
	[sflag:s16] =	ssyncadd.s32 $0xFFFFFE00  }
0x2a: {  	s29 =	smul.u32 $0xFFFFE800, s29;
	s1 =	sadd.s32 $0x1000, s28;
	_ =	swait.ge [sflag:s16], $0x200  }
0x2b: {  	s26 =	sshra.s32 s26, $0x2;
	[sflag:s16] =	ssyncset.done $0x0;
	s0 =	rddreg [dreg:$0x4]  }
0x2c: {  	s31 =	sadd.s32 s30, s26;
	[sflag:s16] =	ssyncadd.s32 $0xFFFFFE00;
	p0 =	sle.u32 s0, s23  }
0x2d: {  	[tilespmem:s28], [sflag:$0x2] =	stream.indirect.gather [hbm4b:s4+s17], $0x10, s31, s17, $0xb8;
	[tilespmem:$0x9310] =	vst v63  }
0x2e: {  	s0 =	sshra.s32 s29, $0x2;
	s31 =	sadd.s32 $0x100, s31;
	s29 =	sadd.s32 @!p0 $0xFFE79600, s24  }
0x2f: {  	[tilespmem:s1], [sflag:$0x2] =	stream.indirect.gather [hbm4b:s4+s17], $0x10, s31, s17, $0xb8;
	[tilespmem:$0x9310] =	vst v63  }
0x30: {  	s15 =	sshra.s32 @!p0 s22, $0x2;
	s29 =	sshrl.u32 @!p0 s29, $0x3;
	s31 =	sadd.s32 $0x200, s0  }
0x31: {  	s3 =	simm.s32 @!p0 $0x0;
	s29 =	sadd.s32 @!p0 s5, s29;
	s31 =	sadd.s32 @!p0 s15, s31  }
0x32: {  	[tilespmem:s31], [sflag:$0x1] =	stream.linear.gather @!p0 [hbm4b:s29+s3], $0x200, $0x38;
	[tilespmem:$0x9310] =	vst v63  }
0x33: {  	s0 =	sadd.s32 $0x800, s0;
	s29 =	sshrl.u32 @!p0 s24, $0x3  }
0x34: {  	s0 =	sadd.s32 @!p0 s15, s0;
	s15 =	sadd.s32 @!p0 s5, s29  }
0x35: {  	[tilespmem:s0], [sflag:$0x1] =	stream.linear.gather @!p0 [hbm4b:s15+s3], $0x200, $0x38;
	[tilespmem:$0x9310] =	vst v63  }
0x36: {  	_ =	swait.ge [sflag:s18], $0x1000  }
0x37: {  	[sflag:s18] =	ssyncset.done $0x0  }
0x38: {  	[sflag:s18] =	ssyncadd.s32 $0xFFFFF000  }
0x39: {  	s29 =	sadd.s32 $0x600, s26;
	_ =	swait.ge [sflag:s18], $0x1000  }
0x3a: {  	s23 =	sadd.s32 $0x1, s23;
	s0 =	sadd.s32 s30, s29;
	s30 =	rddreg [dreg:$0x5]  }
0x3b: {  	s31 =	sadd.s32 s23, s30  }
0x3c: {  	p0 =	sne.s32 s31, $0x1  }
.Ltmp0:
0x3d: {  	[sflag:s18] =	ssyncset.done $0x0;
	(pc) =	sbr.rel @p0 .LBB2_2-.Ltmp0, $4  }
0x3e: {  	s25 =	sadd.s32 $0x1, s25;
	s21 =	sadd.s32 $0x2000, s21;
	[sflag:s18] =	ssyncadd.s32 $0xFFFFF000  }
0x3f: {  	[spmem:s2] =	stream.indirect.scatter.add.f32 [tilespmem:s28], [sflag:$0x3], $0x10, s0, s17, $0xb8;
	[tilespmem:$0x9310] =	vst v63  }
0x40: {  	s22 =	sadd.s32 $0x800, s22;
	s24 =	sadd.s32 $0x200, s24;
	s0 =	sadd.s32 $0x100, s0  }
0x41: {  	[spmem:s2] =	stream.indirect.scatter.add.f32 [tilespmem:s1], [sflag:$0x3], $0x10, s0, s17, $0xb8;
	[tilespmem:$0x9310] =	vst v63  }
0x42: {  	_ =	swait.ge [sflag:s19], $0x1000  }
0x43: {  	[sflag:s19] =	ssyncset.done $0x0  }
0x44: {  	[sflag:s19] =	ssyncadd.s32 $0xFFFFF000  }
0x45: {  	_ =	swait.ge [sflag:s19], $0x1000  }
0x46: {  	[sflag:s19] =	ssyncset.done $0x0  }
0x47: {  	[sflag:s19] =	ssyncadd.s32 $0xFFFFF000  }
0x48: {  	_ =	swait.ge [sflag:s19], $0x1000  }
0x49: {  	[sflag:s19] =	ssyncset.done $0x0  }
0x4a: {  	[sflag:s19] =	ssyncadd.s32 $0xFFFFF000  }
0x4b: {  	_ =	swait.ge [sflag:s19], $0x1000  }
0x4c: {  	s20 =	sadd.s32 $0x1, s20;
	[sflag:s19] =	ssyncset.done $0x0  }
0x4d: {  	p0 =	sne.s32 s20, s11;
	[sflag:s19] =	ssyncadd.s32 $0xFFFFF000  }
.Ltmp1:
0x4e: {  	[bflag:$0x0] =	sbarrier.arrive $0xFFFF;
	(pc) =	sbr.rel @p0 .LBB2_1-.Ltmp1, $4  }
0x4f: {  	[hbm:s10], [sflag:s7] =	dma.local [spmem:s13], $0x4F0  }
0x50: {  	_ =	swait.ge [sflag:s14], $0x4F0  }
0x51: {  	[sflag:s14] =	ssyncset.done $0x0  }
0x52: {  	[sflag:s14] =	ssyncadd.s32 $0xFFFFFB10  }
0x53: {  	_ =	sfence.sel $0x180000  }
0x54: {  	[bflag:$0x0] =	sbarrier.arrive $0xFFFF  }
0x55: {  	_ =	strace $0x90000047  }
0x56: {  	s0 =	stileid.u32;
	[bflag:$0x2] =	sbarrier.arrive $0xFFFF  }
0x57: {  	p0 =	sne.s32 s0, $0x0;
	s0 =	rddreg [dreg:$0x3]  }
0x58: {  	s0 =	sadd.s32 @!p0 $0x100000, s0  }
0x59: {  	[sflag:s0] =	ssyncadd.tile.s32 @!p0 $0x1;
	_ =	shalt  }
.Lfunc_end2:
_tile_overlayer_lowered:
.L_overlay_start_2:
0x5a: {  	(tag) =	ssettag $0x2  }
0x5b: {  	s0 =	rddreg [dreg:$0x0];
	s2 =	stileid.u32  }
0x5c: {  	s1 =	rddreg [dreg:$0x1];
	p0 =	sne.s32 s2, $0x0  }
0x5d: {  	s3 =	rddreg [dreg:$0x2];
	[bflag:$0x3] =	sbarrier.arrive $0xFFFF;
	s2 =	simm.s32 @!p0 $0x1C04  }
0x5e: {  	[timem:s3], [sflag:s2] =	dma.local @!p0 [hbm:s0], s1  }
0x5f: {  	s0 =	simm.s32 @!p0 $0x4  }
0x60: {  	_ =	swait.ge @!p0 [sflag:s0], s1  }
0x61: {  	s1 =	ssub.s32 @!p0 $0x0, s1;
	[sflag:s0] =	ssyncset.done @!p0 $0x0  }
0x62: {  	[sflag:s0] =	ssyncadd.s32 @!p0 s1  }
0x63: {  	[bflag:$0x3] =	sbarrier.arrive $0xFFFF  }
0x64: {  	_ =	shalt  }

</sc_bundles>
